<compile_context>
chip_gen: v7x
topology: tpu7x:2x2x1
jax: 0.10.2.dev20260603
libtpu: 0.0.44.dev20260713+nightly
codegen_flags: <defaults>
</compile_context>

<pallas_src>
import functools
import math

import jax
import jax.numpy as jnp
from jax import lax
from jax.experimental import pallas as pl
from jax.experimental.pallas import tpu as pltpu
from jax.experimental.pallas import tpu_sc as plsc

N_NODES = 10000
N_EDGES = 320000
HIDDEN = 128
NUM_RBF = 50
N_BLOCKS = 3
N_MOL = 32
CUTOFF = 5.0

NC = 2
NS = 16
NW = NC * NS
CH = 128
NCHUNK = 80
EPW = CH * NCHUNK
E_PAD = EPW * NW
NPAD = 10240
RPW = NPAD // NS
RBF_PAD = 64
EC = 4096
LANES = 16


def _mesh():
    return plsc.VectorSubcoreMesh(core_axis_name="c", subcore_axis_name="s")


_SC_PARAMS = pltpu.CompilerParams(needs_layout_passes=False)


def _d2_body(px_hbm, py_hbm, pz_hbm, src_hbm, dst_hbm, out_hbm,
             px_v, py_v, pz_v, si_v, di_v, d2_v):
    c = lax.axis_index("c")
    s = lax.axis_index("s")
    w = s * NC + c
    base = w * EPW
    pltpu.sync_copy(px_hbm, px_v)
    pltpu.sync_copy(py_hbm, py_v)
    pltpu.sync_copy(pz_hbm, pz_v)
    pltpu.sync_copy(src_hbm.at[pl.ds(base, EPW)], si_v)
    pltpu.sync_copy(dst_hbm.at[pl.ds(base, EPW)], di_v)

    def step(it, carry):
        sl = pl.ds(it * LANES, LANES)
        si = si_v[sl]
        di = di_v[sl]
        dx = plsc.load_gather(px_v, [di]) - plsc.load_gather(px_v, [si])
        dy = plsc.load_gather(py_v, [di]) - plsc.load_gather(py_v, [si])
        dz = plsc.load_gather(pz_v, [di]) - plsc.load_gather(pz_v, [si])
        d2_v[sl] = dx * dx + dy * dy + dz * dz
        return carry

    lax.fori_loop(0, EPW // LANES, step, 0)
    pltpu.sync_copy(d2_v, out_hbm.at[pl.ds(base, EPW)])


_d2_kernel = pl.kernel(
    _d2_body,
    out_type=jax.ShapeDtypeStruct((E_PAD,), jnp.float32),
    mesh=_mesh(),
    compiler_params=_SC_PARAMS,
    scratch_types=[
        pltpu.VMEM((N_NODES,), jnp.float32),
        pltpu.VMEM((N_NODES,), jnp.float32),
        pltpu.VMEM((N_NODES,), jnp.float32),
        pltpu.VMEM((EPW,), jnp.int32),
        pltpu.VMEM((EPW,), jnp.int32),
        pltpu.VMEM((EPW,), jnp.float32),
    ],
)


def _make_sc_block(i):
    def body(h_hbm, wf_hbm, srcm_hbm, dstm_hbm, zeros_hbm, out_hbm,
             si_v, di_v, h_buf, wf_buf, agg_sh, isem, lsem, gsem):
        c = lax.axis_index("c")
        s = lax.axis_index("s")
        w = s * NC + c
        pltpu.sync_copy(zeros_hbm.at[pl.ds(s * RPW, RPW)],
                        agg_sh.at[pl.ds(s * RPW, RPW)])
        pltpu.sync_copy(dstm_hbm.at[w], di_v)
        plsc.subcore_barrier()

        def chunk(j, carry):
            base = w * EPW + j * CH
            si_cp = pltpu.async_copy(srcm_hbm.at[w, j], si_v, isem)
            l = pltpu.async_copy(wf_hbm.at[i, pl.ds(base, CH)], wf_buf, lsem)
            si_cp.wait()
            g = pltpu.async_copy(h_hbm.at[si_v], h_buf, gsem)
            l.wait()
            g.wait()

            def row(k, carry2):
                for t in range(HIDDEN // LANES):
                    sl = pl.ds(t * LANES, LANES)
                    h_buf[k, sl] = h_buf[k, sl] * wf_buf[k, sl]
                return carry2

            lax.fori_loop(0, CH, row, 0)
            pltpu.sync_copy(h_buf, agg_sh.at[di_v.at[j]], add=True)
            return carry

        lax.fori_loop(0, NCHUNK, chunk, 0)
        plsc.subcore_barrier()
        pltpu.sync_copy(agg_sh.at[pl.ds(s * RPW, RPW)],
                        out_hbm.at[c, pl.ds(s * RPW, RPW)])

    return pl.kernel(
        body,
        out_type=jax.ShapeDtypeStruct((NC, NPAD, HIDDEN), jnp.float32),
        mesh=_mesh(),
        compiler_params=_SC_PARAMS,
        scratch_types=[
            pltpu.VMEM((CH,), jnp.int32),
            pltpu.VMEM((NCHUNK, CH), jnp.int32),
            pltpu.VMEM((CH, HIDDEN), jnp.float32),
            pltpu.VMEM((CH, HIDDEN), jnp.float32),
            pltpu.VMEM_SHARED((NPAD, HIDDEN), jnp.float32),
            pltpu.SemaphoreType.DMA,
            pltpu.SemaphoreType.DMA,
            pltpu.SemaphoreType.DMA,
        ],
    )


_sc_block = [_make_sc_block(i) for i in range(N_BLOCKS)]


def _emb_body(t_ref, emb_ref, w_ref, x_ref, h_ref):
    oh = (t_ref[...] == lax.broadcasted_iota(jnp.int32, (NPAD, HIDDEN), 1))
    x = jnp.dot(oh.astype(jnp.float32), emb_ref[...],
                preferred_element_type=jnp.float32)
    x_ref[...] = x
    h_ref[...] = jnp.dot(x, w_ref[...], preferred_element_type=jnp.float32)


_emb_call = pl.pallas_call(
    _emb_body,
    out_shape=(jax.ShapeDtypeStruct((NPAD, HIDDEN), jnp.float32),
               jax.ShapeDtypeStruct((NPAD, HIDDEN), jnp.float32)),
)


def _wf_body(d2_ref, offs_ref, w1_ref, b1_ref, w2_ref, b2_ref, out_ref):
    d = jnp.sqrt(d2_ref[...] + 1e-12)
    step = offs_ref[0, 1] - offs_ref[0, 0]
    coeff = -0.5 / (step * step)
    offs = offs_ref[0:1, :]
    rbf = jnp.exp(coeff * (d - offs) ** 2)
    e0 = pl.program_id(0) * EC
    eid = e0 + lax.broadcasted_iota(jnp.int32, (EC, 1), 0)
    valid = (eid < N_EDGES).astype(jnp.float32)
    C = 0.5 * (jnp.cos(d * (math.pi / CUTOFF)) + 1.0)
    C = C * (d < CUTOFF).astype(jnp.float32) * valid
    for i in range(N_BLOCKS):
        t = jnp.tanh(jnp.dot(rbf, w1_ref[i], preferred_element_type=jnp.float32)
                     + b1_ref[i])
        wf = (jnp.dot(t, w2_ref[i], preferred_element_type=jnp.float32)
              + b2_ref[i]) * C
        out_ref[i] = wf


_wf_call = pl.pallas_call(
    _wf_body,
    grid=(E_PAD // EC,),
    in_specs=[
        pl.BlockSpec((EC, 1), lambda e: (e, 0)),
        pl.BlockSpec((8, RBF_PAD), lambda e: (0, 0)),
        pl.BlockSpec((N_BLOCKS, RBF_PAD, HIDDEN), lambda e: (0, 0, 0)),
        pl.BlockSpec((N_BLOCKS, 1, HIDDEN), lambda e: (0, 0, 0)),
        pl.BlockSpec((N_BLOCKS, HIDDEN, HIDDEN), lambda e: (0, 0, 0)),
        pl.BlockSpec((N_BLOCKS, 1, HIDDEN), lambda e: (0, 0, 0)),
    ],
    out_specs=pl.BlockSpec((N_BLOCKS, EC, HIDDEN), lambda e: (0, e, 0)),
    out_shape=jax.ShapeDtypeStruct((N_BLOCKS, E_PAD, HIDDEN), jnp.float32),
)


def _upd_body(x_ref, agg_ref, w2l_ref, b2l_ref, wl_ref, bl_ref, w1n_ref,
              xo_ref, ho_ref):
    agg = agg_ref[0] + agg_ref[1]
    a = jnp.dot(agg, w2l_ref[...], preferred_element_type=jnp.float32) + b2l_ref[...]
    u = jnp.tanh(a)
    xn = x_ref[...] + jnp.dot(u, wl_ref[...], preferred_element_type=jnp.float32) + bl_ref[...]
    xo_ref[...] = xn
    ho_ref[...] = jnp.dot(xn, w1n_ref[...], preferred_element_type=jnp.float32)


_upd_call = pl.pallas_call(
    _upd_body,
    out_shape=(jax.ShapeDtypeStruct((NPAD, HIDDEN), jnp.float32),
               jax.ShapeDtypeStruct((NPAD, HIDDEN), jnp.float32)),
)


def _fin_body(x_ref, agg_ref, w2l_ref, b2l_ref, wl_ref, bl_ref,
              ow1_ref, ob1_ref, ow2t_ref, ob2_ref, batch_ref, eo_ref):
    agg = agg_ref[0] + agg_ref[1]
    u = jnp.tanh(jnp.dot(agg, w2l_ref[...], preferred_element_type=jnp.float32)
                 + b2l_ref[...])
    xn = x_ref[...] + jnp.dot(u, wl_ref[...], preferred_element_type=jnp.float32) + bl_ref[...]
    hout = jnp.tanh(jnp.dot(xn, ow1_ref[...], preferred_element_type=jnp.float32)
                    + ob1_ref[...])
    e = jnp.sum(hout * ow2t_ref[...], axis=1, keepdims=True) + ob2_ref[0, 0]
    oh = (batch_ref[...] == lax.broadcasted_iota(jnp.int32, (NPAD, N_MOL), 1))
    energy = jnp.sum(e * oh.astype(jnp.float32), axis=0, keepdims=True)
    eo_ref[...] = jnp.broadcast_to(energy, (8, N_MOL))


_fin_call = pl.pallas_call(
    _fin_body,
    out_shape=jax.ShapeDtypeStruct((8, N_MOL), jnp.float32),
)


def kernel(atom_types, pos, edge_index, batch, emb, rbf_offsets,
           lin1_W, filt_W1, filt_b1, filt_W2, filt_b2,
           lin2_W, lin2_b, lin_W, lin_b,
           out_W1, out_b1, out_W2, out_b2):
    f32 = jnp.float32
    i32 = jnp.int32
    src = edge_index[0].astype(i32)
    dst = edge_index[1].astype(i32)
    pad = E_PAD - N_EDGES
    zpad = jnp.zeros((pad,), i32)
    src_p = jnp.concatenate([src, zpad])
    dst_p = jnp.concatenate([dst, zpad])
    srcm = src_p.reshape(NW, NCHUNK, CH)
    dstm = dst_p.reshape(NW, NCHUNK, CH)

    pos32 = pos.astype(f32)
    d2 = _d2_kernel(pos32[:, 0], pos32[:, 1], pos32[:, 2], src_p, dst_p)

    npad = NPAD - N_NODES
    types2 = jnp.concatenate([atom_types.astype(i32),
                              jnp.zeros((npad,), i32)]).reshape(NPAD, 1)
    emb_p = jnp.zeros((HIDDEN, HIDDEN), f32).at[:emb.shape[0]].set(emb.astype(f32))
    x, h = _emb_call(types2, emb_p, lin1_W[0].astype(f32))

    offs_p = jnp.full((RBF_PAD,), 1e15, f32).at[:NUM_RBF].set(rbf_offsets.astype(f32))
    offs_p = jnp.broadcast_to(offs_p[None, :], (8, RBF_PAD))
    w1_p = jnp.zeros((N_BLOCKS, RBF_PAD, HIDDEN), f32)
    w1_p = w1_p.at[:, :NUM_RBF].set(filt_W1.astype(f32))
    wfall = _wf_call(d2.reshape(E_PAD, 1), offs_p, w1_p,
                     filt_b1.reshape(N_BLOCKS, 1, HIDDEN).astype(f32),
                     filt_W2.astype(f32),
                     filt_b2.reshape(N_BLOCKS, 1, HIDDEN).astype(f32))

    zeros = jnp.zeros((NPAD, HIDDEN), f32)
    batch2 = jnp.concatenate([batch.astype(i32),
                              jnp.full((npad,), N_MOL, i32)]).reshape(NPAD, 1)
    for i in range(N_BLOCKS):
        aggp = _sc_block[i](h, wfall, srcm, dstm, zeros)
        if i + 1 < N_BLOCKS:
            x, h = _upd_call(x, aggp,
                             lin2_W[i].astype(f32), lin2_b[i].reshape(1, HIDDEN).astype(f32),
                             lin_W[i].astype(f32), lin_b[i].reshape(1, HIDDEN).astype(f32),
                             lin1_W[i + 1].astype(f32))
        else:
            e8 = _fin_call(x, aggp,
                           lin2_W[i].astype(f32), lin2_b[i].reshape(1, HIDDEN).astype(f32),
                           lin_W[i].astype(f32), lin_b[i].reshape(1, HIDDEN).astype(f32),
                           out_W1.astype(f32), out_b1.reshape(1, HIDDEN // 2).astype(f32),
                           out_W2.reshape(1, HIDDEN // 2).astype(f32),
                           out_b2.reshape(1, 1).astype(f32),
                           batch2)
    return e8[0]

# --- scband reference (transcript-rebuilt; emitter-appended) ---
"""Pipeline reference for scband-sch-net-31559419691083 (READ-ONLY COPY).

The authoritative reference and input builder live on the scoring server;
editing this copy changes nothing except your own understanding.
"""

import jax, jax.numpy as jnp
import numpy as np

N_NODES = 10000
N_EDGES = 320000
HIDDEN = 128
NUM_RBF = 50
N_BLOCKS = 3
N_TYPES = 100
N_MOL = 32
CUTOFF = 5.0


def setup_inputs(seed: int = 0) -> dict:
    key = jax.random.key(seed)
    ks = [jax.random.fold_in(key, i) for i in range(32)]
    inp = {}
    inp['atom_types'] = jax.random.randint(ks[0], (N_NODES,), 0, N_TYPES, dtype=jnp.int64 if jax.config.jax_enable_x64 else jnp.int32)
    inp['pos'] = jax.random.normal(ks[1], (N_NODES, 3), dtype=jnp.float32) * 2.0
    inp['edge_index'] = jax.random.randint(ks[2], (2, N_EDGES), 0, N_NODES)
    inp['batch'] = jnp.sort(jax.random.randint(ks[3], (N_NODES,), 0, N_MOL))
    # learned parameters
    inp['emb'] = jax.random.normal(ks[4], (N_TYPES, HIDDEN), dtype=jnp.float32) * 0.1
    inp['rbf_offsets'] = jnp.linspace(0.0, CUTOFF, NUM_RBF, dtype=jnp.float32)
    s = 1.0 / np.sqrt(HIDDEN)
    sr = 1.0 / np.sqrt(NUM_RBF)
    inp['lin1_W'] = jax.random.normal(ks[5], (N_BLOCKS, HIDDEN, HIDDEN), dtype=jnp.float32) * s
    inp['filt_W1'] = jax.random.normal(ks[6], (N_BLOCKS, NUM_RBF, HIDDEN), dtype=jnp.float32) * sr
    inp['filt_b1'] = jnp.zeros((N_BLOCKS, HIDDEN), dtype=jnp.float32)
    inp['filt_W2'] = jax.random.normal(ks[7], (N_BLOCKS, HIDDEN, HIDDEN), dtype=jnp.float32) * s
    inp['filt_b2'] = jnp.zeros((N_BLOCKS, HIDDEN), dtype=jnp.float32)
    inp['lin2_W'] = jax.random.normal(ks[8], (N_BLOCKS, HIDDEN, HIDDEN), dtype=jnp.float32) * s
    inp['lin2_b'] = jnp.zeros((N_BLOCKS, HIDDEN), dtype=jnp.float32)
    inp['lin_W'] = jax.random.normal(ks[9], (N_BLOCKS, HIDDEN, HIDDEN), dtype=jnp.float32) * s
    inp['lin_b'] = jnp.zeros((N_BLOCKS, HIDDEN), dtype=jnp.float32)
    inp['out_W1'] = jax.random.normal(ks[10], (HIDDEN, HIDDEN // 2), dtype=jnp.float32) * s
    inp['out_b1'] = jnp.zeros((HIDDEN // 2,), dtype=jnp.float32)
    inp['out_W2'] = jax.random.normal(ks[11], (HIDDEN // 2, 1), dtype=jnp.float32) * (1.0 / np.sqrt(HIDDEN // 2))
    inp['out_b2'] = jnp.zeros((1,), dtype=jnp.float32)
    return inp


def reference(atom_types, pos, edge_index, batch, emb, rbf_offsets,
              lin1_W, filt_W1, filt_b1, filt_W2, filt_b2,
              lin2_W, lin2_b, lin_W, lin_b,
              out_W1, out_b1, out_W2, out_b2):
    src = edge_index[0]
    dst = edge_index[1]
    # embedding lookup (gather)
    x = emb[atom_types]
    # pairwise distances along edges
    dvec = pos[dst] - pos[src]
    d = jnp.sqrt(jnp.sum(dvec * dvec, axis=-1) + 1e-12)
    # Gaussian RBF expansion (GaussianSmearing)
    coeff = -0.5 / (rbf_offsets[1] - rbf_offsets[0]) ** 2
    rbf = jnp.exp(coeff * (d[:, None] - rbf_offsets[None, :]) ** 2)
    # cosine cutoff envelope
    C = 0.5 * (jnp.cos(d * jnp.pi / CUTOFF) + 1.0) * (d < CUTOFF).astype(jnp.float32)
    for i in range(N_BLOCKS):
        # CFConv: lin1 -> filter-generated continuous convolution -> scatter-add -> lin2
        h = x @ lin1_W[i]
        Wf = jnp.tanh(rbf @ filt_W1[i] + filt_b1[i])
        Wf = (Wf @ filt_W2[i] + filt_b2[i]) * C[:, None]
        msg = h[src] * Wf
        agg = jax.ops.segment_sum(msg, dst, num_segments=x.shape[0])
        agg = agg @ lin2_W[i] + lin2_b[i]
        # InteractionBlock: activation then linear, residual update
        upd = jnp.tanh(agg)
        upd = upd @ lin_W[i] + lin_b[i]
        x = x + upd
    # output network: per-atom energy then scatter-sum per molecule
    hout = jnp.tanh(x @ out_W1 + out_b1)
    e = hout @ out_W2 + out_b2
    energy = jax.ops.segment_sum(e, batch, num_segments=N_MOL)
    return energy.flatten()

if __name__ == "__main__":
    import jax
    _d = setup_inputs()
    print(jax.jit(kernel)(*tuple(_d.values())))

</pallas_src>

<mosaic_0001>
#map = affine_map<(d0, d1) -> (0, 0)>
#map1 = affine_map<(d0, d1) -> (0, 0, 0)>
module attributes {stable_mosaic.version = 14 : i64} {
  func.func @body(%arg0: i32, %arg1: i32, %arg2: memref<10240x128xf32, #tpu.memory_space<hbm>>, %arg3: memref<3x327680x128xf32, #tpu.memory_space<hbm>>, %arg4: memref<32x80x128xi32, #tpu.memory_space<hbm>>, %arg5: memref<32x80x128xi32, #tpu.memory_space<hbm>>, %arg6: memref<10240x128xf32, #tpu.memory_space<hbm>>, %arg7: memref<2x10240x128xf32, #tpu.memory_space<hbm>>, %arg8: memref<128xi32, #tpu.memory_space<vmem>>, %arg9: memref<80x128xi32, #tpu.memory_space<vmem>>, %arg10: memref<128x128xf32, #tpu.memory_space<vmem>>, %arg11: memref<128x128xf32, #tpu.memory_space<vmem>>, %arg12: memref<10240x128xf32, #tpu.memory_space<vmem_shared>>, %arg13: memref<!tpu.dma_semaphore, #tpu.memory_space<semaphore_mem>>, %arg14: memref<!tpu.dma_semaphore, #tpu.memory_space<semaphore_mem>>, %arg15: memref<!tpu.dma_semaphore, #tpu.memory_space<semaphore_mem>>) attributes {dimension_semantics = [#tpu.dimension_semantics<core_parallel>, #tpu.dimension_semantics<subcore_parallel>], iteration_bounds = array<i64: 2, 16>, scalar_prefetch = 0 : i64, scratch_operands = 8 : i64, tpu.core_type = #tpu.core_type<sc_vector_subcore>, window_params = [{transform_indices = #map}, {transform_indices = #map1}, {transform_indices = #map1}, {transform_indices = #map1}, {transform_indices = #map}, {transform_indices = #map1}]} {
    %mul3A = arith.constant 2 : i32
    %mul3A_0 = arith.muli %arg1, %mul3A : i32
    %add3A = arith.addi %mul3A_0, %arg0 : i32
    %mul3A_1 = arith.constant 640 : i32
    %mul3A_2 = arith.muli %arg1, %mul3A_1 : i32
    %mul3A_3 = arith.constant 640 : i32
    %mul3A_4 = arith.muli %arg1, %mul3A_3 : i32
    "tpu.region"() ({
      %run_scoped3A = tpu.sem_alloc : memref<!tpu.dma_semaphore, #tpu.memory_space<semaphore_mem>>
      %dma_start3A = arith.constant 0 : i32
      %dma_start3A_15 = tpu.memref_slice %arg12[%mul3A_4, %dma_start3A] : memref<10240x128xf32, #tpu.memory_space<vmem_shared>> -> memref<640x128xf32, #tpu.memory_space<vmem_shared>>
      %dma_start3A_16 = arith.constant 0 : i32
      %dma_start3A_17 = tpu.memref_slice %arg6[%mul3A_2, %dma_start3A_16] : memref<10240x128xf32, #tpu.memory_space<hbm>> -> memref<640x128xf32, #tpu.memory_space<hbm>>
      tpu.enqueue_dma source(%dma_start3A_17 : memref<640x128xf32, #tpu.memory_space<hbm>>) target(%dma_start3A_15 : memref<640x128xf32, #tpu.memory_space<vmem_shared>>) target_semaphore(%run_scoped3A : memref<!tpu.dma_semaphore, #tpu.memory_space<semaphore_mem>>)
      %dma_wait3A = arith.constant 0 : i32
      %dma_wait3A_18 = tpu.memref_slice %arg12[%mul3A_4, %dma_wait3A] : memref<10240x128xf32, #tpu.memory_space<vmem_shared>> -> memref<640x128xf32, #tpu.memory_space<vmem_shared>>
      %dma_wait3A_19 = arith.constant 0 : i32
      %dma_wait3A_20 = tpu.memref_slice %arg6[%mul3A_2, %dma_wait3A_19] : memref<10240x128xf32, #tpu.memory_space<hbm>> -> memref<640x128xf32, #tpu.memory_space<hbm>>
      tpu.wait_dma2 semaphore(%run_scoped3A : memref<!tpu.dma_semaphore, #tpu.memory_space<semaphore_mem>>) src(%dma_wait3A_20 : memref<640x128xf32, #tpu.memory_space<hbm>>) dst(%dma_wait3A_18 : memref<640x128xf32, #tpu.memory_space<vmem_shared>>)
      tpu.yield
    }) : () -> ()
    "tpu.region"() ({
      %run_scoped3A = tpu.sem_alloc : memref<!tpu.dma_semaphore, #tpu.memory_space<semaphore_mem>>
      %dma_start3A = arith.constant 0 : i32
      %dma_start3A_15 = arith.constant 0 : i32
      %dma_start3A_16 = tpu.memref_slice %arg5[%add3A, %dma_start3A, %dma_start3A_15] : memref<32x80x128xi32, #tpu.memory_space<hbm>> -> memref<1x80x128xi32, #tpu.memory_space<hbm>>
      %dma_start3A_17 = tpu.memref_squeeze %dma_start3A_16 : memref<1x80x128xi32, #tpu.memory_space<hbm>> -> memref<80x128xi32, #tpu.memory_space<hbm>>
      %dma_start3A_18 = arith.constant 0 : i32
      %dma_start3A_19 = arith.constant 0 : i32
      %dma_start3A_20 = tpu.memref_slice %arg5[%add3A, %dma_start3A_18, %dma_start3A_19] : memref<32x80x128xi32, #tpu.memory_space<hbm>> -> memref<1x80x128xi32, #tpu.memory_space<hbm>>
      %dma_start3A_21 = tpu.memref_squeeze %dma_start3A_20 : memref<1x80x128xi32, #tpu.memory_space<hbm>> -> memref<80x128xi32, #tpu.memory_space<hbm>>
      tpu.enqueue_dma source(%dma_start3A_21 : memref<80x128xi32, #tpu.memory_space<hbm>>) target(%arg9 : memref<80x128xi32, #tpu.memory_space<vmem>>) target_semaphore(%run_scoped3A : memref<!tpu.dma_semaphore, #tpu.memory_space<semaphore_mem>>)
      %dma_wait3A = arith.constant 0 : i32
      %dma_wait3A_22 = arith.constant 0 : i32
      %dma_wait3A_23 = tpu.memref_slice %arg5[%add3A, %dma_wait3A, %dma_wait3A_22] : memref<32x80x128xi32, #tpu.memory_space<hbm>> -> memref<1x80x128xi32, #tpu.memory_space<hbm>>
      %dma_wait3A_24 = tpu.memref_squeeze %dma_wait3A_23 : memref<1x80x128xi32, #tpu.memory_space<hbm>> -> memref<80x128xi32, #tpu.memory_space<hbm>>
      %dma_wait3A_25 = arith.constant 0 : i32
      %dma_wait3A_26 = arith.constant 0 : i32
      %dma_wait3A_27 = tpu.memref_slice %arg5[%add3A, %dma_wait3A_25, %dma_wait3A_26] : memref<32x80x128xi32, #tpu.memory_space<hbm>> -> memref<1x80x128xi32, #tpu.memory_space<hbm>>
      %dma_wait3A_28 = tpu.memref_squeeze %dma_wait3A_27 : memref<1x80x128xi32, #tpu.memory_space<hbm>> -> memref<80x128xi32, #tpu.memory_space<hbm>>
      tpu.wait_dma2 semaphore(%run_scoped3A : memref<!tpu.dma_semaphore, #tpu.memory_space<semaphore_mem>>) src(%dma_wait3A_28 : memref<80x128xi32, #tpu.memory_space<hbm>>) dst(%arg9 : memref<80x128xi32, #tpu.memory_space<vmem>>)
      tpu.yield
    }) : () -> ()
    %barrier3A = arith.constant 0 : index
    tpu.barrier barrier_id(%barrier3A)
    %scan3A = arith.constant 0 : i32
    %scan3A_5 = arith.constant 0 : i32
    %scan3A_6 = arith.constant 80 : i32
    %scan3A_7 = arith.addi %scan3A_5, %scan3A_6 : i32
    %scan3A_8 = arith.constant 1 : i32
    scf.for %scan3A_15 = %scan3A_5 to %scan3A_7 step %scan3A_8  : i32 {
      %mul3A_16 = arith.constant 10240 : i32
      %mul3A_17 = arith.muli %add3A, %mul3A_16 : i32
      %mul3A_18 = arith.constant 128 : i32
      %mul3A_19 = arith.muli %scan3A_15, %mul3A_18 : i32
      %add3A_20 = arith.addi %mul3A_17, %mul3A_19 : i32
      %dma_start3A = arith.constant 0 : i32
      %dma_start3A_21 = tpu.memref_slice %arg4[%add3A, %scan3A_15, %dma_start3A] : memref<32x80x128xi32, #tpu.memory_space<hbm>> -> memref<1x1x128xi32, #tpu.memory_space<hbm>>
      %dma_start3A_22 = tpu.memref_squeeze %dma_start3A_21 : memref<1x1x128xi32, #tpu.memory_space<hbm>> -> memref<128xi32, #tpu.memory_space<hbm>>
      %dma_start3A_23 = arith.constant 0 : i32
      %dma_start3A_24 = tpu.memref_slice %arg4[%add3A, %scan3A_15, %dma_start3A_23] : memref<32x80x128xi32, #tpu.memory_space<hbm>> -> memref<1x1x128xi32, #tpu.memory_space<hbm>>
      %dma_start3A_25 = tpu.memref_squeeze %dma_start3A_24 : memref<1x1x128xi32, #tpu.memory_space<hbm>> -> memref<128xi32, #tpu.memory_space<hbm>>
      tpu.enqueue_dma source(%dma_start3A_25 : memref<128xi32, #tpu.memory_space<hbm>>) target(%arg8 : memref<128xi32, #tpu.memory_space<vmem>>) target_semaphore(%arg13 : memref<!tpu.dma_semaphore, #tpu.memory_space<semaphore_mem>>)
      %dma_start3A_26 = arith.constant 1 : i32
      %dma_start3A_27 = arith.constant 0 : i32
      %dma_start3A_28 = tpu.memref_slice %arg3[%dma_start3A_26, %add3A_20, %dma_start3A_27] : memref<3x327680x128xf32, #tpu.memory_space<hbm>> -> memref<1x128x128xf32, #tpu.memory_space<hbm>>
      %dma_start3A_29 = tpu.memref_squeeze %dma_start3A_28 : memref<1x128x128xf32, #tpu.memory_space<hbm>> -> memref<128x128xf32, #tpu.memory_space<hbm>>
      %dma_start3A_30 = arith.constant 0 : i32
      %dma_start3A_31 = tpu.memref_slice %arg3[%dma_start3A_26, %add3A_20, %dma_start3A_30] : memref<3x327680x128xf32, #tpu.memory_space<hbm>> -> memref<1x128x128xf32, #tpu.memory_space<hbm>>
      %dma_start3A_32 = tpu.memref_squeeze %dma_start3A_31 : memref<1x128x128xf32, #tpu.memory_space<hbm>> -> memref<128x128xf32, #tpu.memory_space<hbm>>
      tpu.enqueue_dma source(%dma_start3A_32 : memref<128x128xf32, #tpu.memory_space<hbm>>) target(%arg11 : memref<128x128xf32, #tpu.memory_space<vmem>>) target_semaphore(%arg14 : memref<!tpu.dma_semaphore, #tpu.memory_space<semaphore_mem>>)
      %dma_wait3A = arith.constant 0 : i32
      %dma_wait3A_33 = tpu.memref_slice %arg4[%add3A, %scan3A_15, %dma_wait3A] : memref<32x80x128xi32, #tpu.memory_space<hbm>> -> memref<1x1x128xi32, #tpu.memory_space<hbm>>
      %dma_wait3A_34 = tpu.memref_squeeze %dma_wait3A_33 : memref<1x1x128xi32, #tpu.memory_space<hbm>> -> memref<128xi32, #tpu.memory_space<hbm>>
      %dma_wait3A_35 = arith.constant 0 : i32
      %dma_wait3A_36 = tpu.memref_slice %arg4[%add3A, %scan3A_15, %dma_wait3A_35] : memref<32x80x128xi32, #tpu.memory_space<hbm>> -> memref<1x1x128xi32, #tpu.memory_space<hbm>>
      %dma_wait3A_37 = tpu.memref_squeeze %dma_wait3A_36 : memref<1x1x128xi32, #tpu.memory_space<hbm>> -> memref<128xi32, #tpu.memory_space<hbm>>
      tpu.wait_dma2 semaphore(%arg13 : memref<!tpu.dma_semaphore, #tpu.memory_space<semaphore_mem>>) src(%dma_wait3A_37 : memref<128xi32, #tpu.memory_space<hbm>>) dst(%arg8 : memref<128xi32, #tpu.memory_space<vmem>>)
      %dma_start3A_38 = arith.constant 0 : i32
      %dma_start3A_39 = arith.constant 0 : i32
      %dma_start3A_40 = tpu.memref_slice %arg2[%dma_start3A_38, %dma_start3A_39] : memref<10240x128xf32, #tpu.memory_space<hbm>> -> memref<10240x128xf32, #tpu.memory_space<hbm>>
      tpu.enqueue_indirect_dma source(%dma_start3A_40 : memref<10240x128xf32, #tpu.memory_space<hbm>>) target(%arg10 : memref<128x128xf32, #tpu.memory_space<vmem>>) offsets(%arg8 : memref<128xi32, #tpu.memory_space<vmem>>) semaphore(%arg15 : memref<!tpu.dma_semaphore, #tpu.memory_space<semaphore_mem>>)
      %dma_wait3A_41 = arith.constant 1 : i32
      %dma_wait3A_42 = arith.constant 0 : i32
      %dma_wait3A_43 = tpu.memref_slice %arg3[%dma_wait3A_41, %add3A_20, %dma_wait3A_42] : memref<3x327680x128xf32, #tpu.memory_space<hbm>> -> memref<1x128x128xf32, #tpu.memory_space<hbm>>
      %dma_wait3A_44 = tpu.memref_squeeze %dma_wait3A_43 : memref<1x128x128xf32, #tpu.memory_space<hbm>> -> memref<128x128xf32, #tpu.memory_space<hbm>>
      %dma_wait3A_45 = arith.constant 0 : i32
      %dma_wait3A_46 = tpu.memref_slice %arg3[%dma_wait3A_41, %add3A_20, %dma_wait3A_45] : memref<3x327680x128xf32, #tpu.memory_space<hbm>> -> memref<1x128x128xf32, #tpu.memory_space<hbm>>
      %dma_wait3A_47 = tpu.memref_squeeze %dma_wait3A_46 : memref<1x128x128xf32, #tpu.memory_space<hbm>> -> memref<128x128xf32, #tpu.memory_space<hbm>>
      tpu.wait_dma2 semaphore(%arg14 : memref<!tpu.dma_semaphore, #tpu.memory_space<semaphore_mem>>) src(%dma_wait3A_47 : memref<128x128xf32, #tpu.memory_space<hbm>>) dst(%arg11 : memref<128x128xf32, #tpu.memory_space<vmem>>)
      %dma_wait3A_48 = arith.constant 0 : i32
      %dma_wait3A_49 = arith.constant 0 : i32
      %dma_wait3A_50 = tpu.memref_slice %arg2[%dma_wait3A_48, %dma_wait3A_49] : memref<10240x128xf32, #tpu.memory_space<hbm>> -> memref<10240x128xf32, #tpu.memory_space<hbm>>
      tpu.wait_indirect_dma semaphore(%arg15 : memref<!tpu.dma_semaphore, #tpu.memory_space<semaphore_mem>>) src(%dma_wait3A_50 : memref<10240x128xf32, #tpu.memory_space<hbm>>) dst(%arg10 : memref<128x128xf32, #tpu.memory_space<vmem>>)
      %scan3A_51 = arith.constant 0 : i32
      %scan3A_52 = arith.constant 0 : i32
      %scan3A_53 = arith.constant 128 : i32
      %scan3A_54 = arith.addi %scan3A_52, %scan3A_53 : i32
      %scan3A_55 = arith.constant 1 : i32
      scf.for %scan3A_57 = %scan3A_52 to %scan3A_54 step %scan3A_55  : i32 {
        %get3A = arith.index_cast %scan3A_57 : i32 to index
        %get3A_58 = arith.constant 0 : index
        %get3A_59 = tpu.vector_load %arg10[%get3A, %get3A_58] {strides = array<i32>} : memref<128x128xf32, #tpu.memory_space<vmem>>, vector<16xf32>,
        %get3A_60 = arith.index_cast %scan3A_57 : i32 to index
        %get3A_61 = arith.constant 0 : index
        %get3A_62 = tpu.vector_load %arg11[%get3A_60, %get3A_61] {strides = array<i32>} : memref<128x128xf32, #tpu.memory_space<vmem>>, vector<16xf32>,
        %mul3A_63 = arith.mulf %get3A_59, %get3A_62 : vector<16xf32>
        %swap3A = arith.index_cast %scan3A_57 : i32 to index
        %swap3A_64 = arith.constant 0 : index
        %swap3A_65 = tpu.vector_load %arg10[%swap3A, %swap3A_64] {strides = array<i32>} : memref<128x128xf32, #tpu.memory_space<vmem>>, vector<16xf32>,
        tpu.vector_store %arg10[%swap3A, %swap3A_64], %mul3A_63 {strides = array<i32>} : memref<128x128xf32, #tpu.memory_space<vmem>>, vector<16xf32>,
        %get3A_66 = arith.index_cast %scan3A_57 : i32 to index
        %get3A_67 = arith.constant 16 : index
        %get3A_68 = tpu.vector_load %arg10[%get3A_66, %get3A_67] {strides = array<i32>} : memref<128x128xf32, #tpu.memory_space<vmem>>, vector<16xf32>,
        %get3A_69 = arith.index_cast %scan3A_57 : i32 to index
        %get3A_70 = arith.constant 16 : index
        %get3A_71 = tpu.vector_load %arg11[%get3A_69, %get3A_70] {strides = array<i32>} : memref<128x128xf32, #tpu.memory_space<vmem>>, vector<16xf32>,
        %mul3A_72 = arith.mulf %get3A_68, %get3A_71 : vector<16xf32>
        %swap3A_73 = arith.index_cast %scan3A_57 : i32 to index
        %swap3A_74 = arith.constant 16 : index
        %swap3A_75 = tpu.vector_load %arg10[%swap3A_73, %swap3A_74] {strides = array<i32>} : memref<128x128xf32, #tpu.memory_space<vmem>>, vector<16xf32>,
        tpu.vector_store %arg10[%swap3A_73, %swap3A_74], %mul3A_72 {strides = array<i32>} : memref<128x128xf32, #tpu.memory_space<vmem>>, vector<16xf32>,
        %get3A_76 = arith.index_cast %scan3A_57 : i32 to index
        %get3A_77 = arith.constant 32 : index
        %get3A_78 = tpu.vector_load %arg10[%get3A_76, %get3A_77] {strides = array<i32>} : memref<128x128xf32, #tpu.memory_space<vmem>>, vector<16xf32>,
        %get3A_79 = arith.index_cast %scan3A_57 : i32 to index
        %get3A_80 = arith.constant 32 : index
        %get3A_81 = tpu.vector_load %arg11[%get3A_79, %get3A_80] {strides = array<i32>} : memref<128x128xf32, #tpu.memory_space<vmem>>, vector<16xf32>,
        %mul3A_82 = arith.mulf %get3A_78, %get3A_81 : vector<16xf32>
        %swap3A_83 = arith.index_cast %scan3A_57 : i32 to index
        %swap3A_84 = arith.constant 32 : index
        %swap3A_85 = tpu.vector_load %arg10[%swap3A_83, %swap3A_84] {strides = array<i32>} : memref<128x128xf32, #tpu.memory_space<vmem>>, vector<16xf32>,
        tpu.vector_store %arg10[%swap3A_83, %swap3A_84], %mul3A_82 {strides = array<i32>} : memref<128x128xf32, #tpu.memory_space<vmem>>, vector<16xf32>,
        %get3A_86 = arith.index_cast %scan3A_57 : i32 to index
        %get3A_87 = arith.constant 48 : index
        %get3A_88 = tpu.vector_load %arg10[%get3A_86, %get3A_87] {strides = array<i32>} : memref<128x128xf32, #tpu.memory_space<vmem>>, vector<16xf32>,
        %get3A_89 = arith.index_cast %scan3A_57 : i32 to index
        %get3A_90 = arith.constant 48 : index
        %get3A_91 = tpu.vector_load %arg11[%get3A_89, %get3A_90] {strides = array<i32>} : memref<128x128xf32, #tpu.memory_space<vmem>>, vector<16xf32>,
        %mul3A_92 = arith.mulf %get3A_88, %get3A_91 : vector<16xf32>
        %swap3A_93 = arith.index_cast %scan3A_57 : i32 to index
        %swap3A_94 = arith.constant 48 : index
        %swap3A_95 = tpu.vector_load %arg10[%swap3A_93, %swap3A_94] {strides = array<i32>} : memref<128x128xf32, #tpu.memory_space<vmem>>, vector<16xf32>,
        tpu.vector_store %arg10[%swap3A_93, %swap3A_94], %mul3A_92 {strides = array<i32>} : memref<128x128xf32, #tpu.memory_space<vmem>>, vector<16xf32>,
        %get3A_96 = arith.index_cast %scan3A_57 : i32 to index
        %get3A_97 = arith.constant 64 : index
        %get3A_98 = tpu.vector_load %arg10[%get3A_96, %get3A_97] {strides = array<i32>} : memref<128x128xf32, #tpu.memory_space<vmem>>, vector<16xf32>,
        %get3A_99 = arith.index_cast %scan3A_57 : i32 to index
        %get3A_100 = arith.constant 64 : index
        %get3A_101 = tpu.vector_load %arg11[%get3A_99, %get3A_100] {strides = array<i32>} : memref<128x128xf32, #tpu.memory_space<vmem>>, vector<16xf32>,
        %mul3A_102 = arith.mulf %get3A_98, %get3A_101 : vector<16xf32>
        %swap3A_103 = arith.index_cast %scan3A_57 : i32 to index
        %swap3A_104 = arith.constant 64 : index
        %swap3A_105 = tpu.vector_load %arg10[%swap3A_103, %swap3A_104] {strides = array<i32>} : memref<128x128xf32, #tpu.memory_space<vmem>>, vector<16xf32>,
        tpu.vector_store %arg10[%swap3A_103, %swap3A_104], %mul3A_102 {strides = array<i32>} : memref<128x128xf32, #tpu.memory_space<vmem>>, vector<16xf32>,
        %get3A_106 = arith.index_cast %scan3A_57 : i32 to index
        %get3A_107 = arith.constant 80 : index
        %get3A_108 = tpu.vector_load %arg10[%get3A_106, %get3A_107] {strides = array<i32>} : memref<128x128xf32, #tpu.memory_space<vmem>>, vector<16xf32>,
        %get3A_109 = arith.index_cast %scan3A_57 : i32 to index
        %get3A_110 = arith.constant 80 : index
        %get3A_111 = tpu.vector_load %arg11[%get3A_109, %get3A_110] {strides = array<i32>} : memref<128x128xf32, #tpu.memory_space<vmem>>, vector<16xf32>,
        %mul3A_112 = arith.mulf %get3A_108, %get3A_111 : vector<16xf32>
        %swap3A_113 = arith.index_cast %scan3A_57 : i32 to index
        %swap3A_114 = arith.constant 80 : index
        %swap3A_115 = tpu.vector_load %arg10[%swap3A_113, %swap3A_114] {strides = array<i32>} : memref<128x128xf32, #tpu.memory_space<vmem>>, vector<16xf32>,
        tpu.vector_store %arg10[%swap3A_113, %swap3A_114], %mul3A_112 {strides = array<i32>} : memref<128x128xf32, #tpu.memory_space<vmem>>, vector<16xf32>,
        %get3A_116 = arith.index_cast %scan3A_57 : i32 to index
        %get3A_117 = arith.constant 96 : index
        %get3A_118 = tpu.vector_load %arg10[%get3A_116, %get3A_117] {strides = array<i32>} : memref<128x128xf32, #tpu.memory_space<vmem>>, vector<16xf32>,
        %get3A_119 = arith.index_cast %scan3A_57 : i32 to index
        %get3A_120 = arith.constant 96 : index
        %get3A_121 = tpu.vector_load %arg11[%get3A_119, %get3A_120] {strides = array<i32>} : memref<128x128xf32, #tpu.memory_space<vmem>>, vector<16xf32>,
        %mul3A_122 = arith.mulf %get3A_118, %get3A_121 : vector<16xf32>
        %swap3A_123 = arith.index_cast %scan3A_57 : i32 to index
        %swap3A_124 = arith.constant 96 : index
        %swap3A_125 = tpu.vector_load %arg10[%swap3A_123, %swap3A_124] {strides = array<i32>} : memref<128x128xf32, #tpu.memory_space<vmem>>, vector<16xf32>,
        tpu.vector_store %arg10[%swap3A_123, %swap3A_124], %mul3A_122 {strides = array<i32>} : memref<128x128xf32, #tpu.memory_space<vmem>>, vector<16xf32>,
        %get3A_126 = arith.index_cast %scan3A_57 : i32 to index
        %get3A_127 = arith.constant 112 : index
        %get3A_128 = tpu.vector_load %arg10[%get3A_126, %get3A_127] {strides = array<i32>} : memref<128x128xf32, #tpu.memory_space<vmem>>, vector<16xf32>,
        %get3A_129 = arith.index_cast %scan3A_57 : i32 to index
        %get3A_130 = arith.constant 112 : index
        %get3A_131 = tpu.vector_load %arg11[%get3A_129, %get3A_130] {strides = array<i32>} : memref<128x128xf32, #tpu.memory_space<vmem>>, vector<16xf32>,
        %mul3A_132 = arith.mulf %get3A_128, %get3A_131 : vector<16xf32>
        %swap3A_133 = arith.index_cast %scan3A_57 : i32 to index
        %swap3A_134 = arith.constant 112 : index
        %swap3A_135 = tpu.vector_load %arg10[%swap3A_133, %swap3A_134] {strides = array<i32>} : memref<128x128xf32, #tpu.memory_space<vmem>>, vector<16xf32>,
        tpu.vector_store %arg10[%swap3A_133, %swap3A_134], %mul3A_132 {strides = array<i32>} : memref<128x128xf32, #tpu.memory_space<vmem>>, vector<16xf32>,
      }
      %scan3A_56 = arith.constant 128 : i32
      "tpu.region"() ({
        %run_scoped3A = tpu.sem_alloc : memref<!tpu.dma_semaphore, #tpu.memory_space<semaphore_mem>>
        %dma_start3A_57 = arith.constant 0 : i32
        %dma_start3A_58 = tpu.memref_slice %arg9[%scan3A_15, %dma_start3A_57] : memref<80x128xi32, #tpu.memory_space<vmem>> -> memref<1x128xi32, #tpu.memory_space<vmem>>
        %dma_start3A_59 = tpu.memref_squeeze %dma_start3A_58 : memref<1x128xi32, #tpu.memory_space<vmem>> -> memref<128xi32, #tpu.memory_space<vmem>>
        %dma_start3A_60 = arith.constant 0 : i32
        %dma_start3A_61 = arith.constant 0 : i32
        %dma_start3A_62 = tpu.memref_slice %arg12[%dma_start3A_60, %dma_start3A_61] : memref<10240x128xf32, #tpu.memory_space<vmem_shared>> -> memref<10240x128xf32, #tpu.memory_space<vmem_shared>>
        tpu.enqueue_indirect_dma source(%arg10 : memref<128x128xf32, #tpu.memory_space<vmem>>) target(%dma_start3A_62 : memref<10240x128xf32, #tpu.memory_space<vmem_shared>>) offsets(%dma_start3A_59 : memref<128xi32, #tpu.memory_space<vmem>>) semaphore(%run_scoped3A : memref<!tpu.dma_semaphore, #tpu.memory_space<semaphore_mem>>) {add = true}
        %dma_wait3A_63 = arith.constant 0 : i32
        %dma_wait3A_64 = tpu.memref_slice %arg9[%scan3A_15, %dma_wait3A_63] : memref<80x128xi32, #tpu.memory_space<vmem>> -> memref<1x128xi32, #tpu.memory_space<vmem>>
        %dma_wait3A_65 = tpu.memref_squeeze %dma_wait3A_64 : memref<1x128xi32, #tpu.memory_space<vmem>> -> memref<128xi32, #tpu.memory_space<vmem>>
        %dma_wait3A_66 = arith.constant 0 : i32
        %dma_wait3A_67 = arith.constant 0 : i32
        %dma_wait3A_68 = tpu.memref_slice %arg12[%dma_wait3A_66, %dma_wait3A_67] : memref<10240x128xf32, #tpu.memory_space<vmem_shared>> -> memref<10240x128xf32, #tpu.memory_space<vmem_shared>>
        tpu.wait_indirect_dma semaphore(%run_scoped3A : memref<!tpu.dma_semaphore, #tpu.memory_space<semaphore_mem>>) src(%arg10 : memref<128x128xf32, #tpu.memory_space<vmem>>) dst(%dma_wait3A_68 : memref<10240x128xf32, #tpu.memory_space<vmem_shared>>)
        tpu.yield
      }) : () -> ()
    }
    %scan3A_9 = arith.constant 80 : i32
    %barrier3A_10 = arith.constant 0 : index
    tpu.barrier barrier_id(%barrier3A_10)
    %mul3A_11 = arith.constant 640 : i32
    %mul3A_12 = arith.muli %arg1, %mul3A_11 : i32
    %mul3A_13 = arith.constant 640 : i32
    %mul3A_14 = arith.muli %arg1, %mul3A_13 : i32
    "tpu.region"() ({
      %run_scoped3A = tpu.sem_alloc : memref<!tpu.dma_semaphore, #tpu.memory_space<semaphore_mem>>
      %dma_start3A = arith.constant 0 : i32
      %dma_start3A_15 = tpu.memref_slice %arg7[%arg0, %mul3A_14, %dma_start3A] : memref<2x10240x128xf32, #tpu.memory_space<hbm>> -> memref<1x640x128xf32, #tpu.memory_space<hbm>>
      %dma_start3A_16 = tpu.memref_squeeze %dma_start3A_15 : memref<1x640x128xf32, #tpu.memory_space<hbm>> -> memref<640x128xf32, #tpu.memory_space<hbm>>
      %dma_start3A_17 = arith.constant 0 : i32
      %dma_start3A_18 = tpu.memref_slice %arg12[%mul3A_12, %dma_start3A_17] : memref<10240x128xf32, #tpu.memory_space<vmem_shared>> -> memref<640x128xf32, #tpu.memory_space<vmem_shared>>
      tpu.enqueue_dma source(%dma_start3A_18 : memref<640x128xf32, #tpu.memory_space<vmem_shared>>) target(%dma_start3A_16 : memref<640x128xf32, #tpu.memory_space<hbm>>) target_semaphore(%run_scoped3A : memref<!tpu.dma_semaphore, #tpu.memory_space<semaphore_mem>>)
      %dma_wait3A = arith.constant 0 : i32
      %dma_wait3A_19 = tpu.memref_slice %arg7[%arg0, %mul3A_14, %dma_wait3A] : memref<2x10240x128xf32, #tpu.memory_space<hbm>> -> memref<1x640x128xf32, #tpu.memory_space<hbm>>
      %dma_wait3A_20 = tpu.memref_squeeze %dma_wait3A_19 : memref<1x640x128xf32, #tpu.memory_space<hbm>> -> memref<640x128xf32, #tpu.memory_space<hbm>>
      %dma_wait3A_21 = arith.constant 0 : i32
      %dma_wait3A_22 = tpu.memref_slice %arg12[%mul3A_12, %dma_wait3A_21] : memref<10240x128xf32, #tpu.memory_space<vmem_shared>> -> memref<640x128xf32, #tpu.memory_space<vmem_shared>>
      tpu.wait_dma2 semaphore(%run_scoped3A : memref<!tpu.dma_semaphore, #tpu.memory_space<semaphore_mem>>) src(%dma_wait3A_22 : memref<640x128xf32, #tpu.memory_space<vmem_shared>>) dst(%dma_wait3A_20 : memref<640x128xf32, #tpu.memory_space<hbm>>)
      tpu.yield
    }) : () -> ()
    return
  }
}

#map = affine_map<(d0, d1) -> (0)>
module attributes {stable_mosaic.version = 14 : i64} {
  func.func @_d2_body(%arg0: i32, %arg1: i32, %arg2: memref<10000xf32, #tpu.memory_space<hbm>>, %arg3: memref<10000xf32, #tpu.memory_space<hbm>>, %arg4: memref<10000xf32, #tpu.memory_space<hbm>>, %arg5: memref<327680xi32, #tpu.memory_space<hbm>>, %arg6: memref<327680xi32, #tpu.memory_space<hbm>>, %arg7: memref<327680xf32, #tpu.memory_space<hbm>>, %arg8: memref<10000xf32, #tpu.memory_space<vmem>>, %arg9: memref<10000xf32, #tpu.memory_space<vmem>>, %arg10: memref<10000xf32, #tpu.memory_space<vmem>>, %arg11: memref<10240xi32, #tpu.memory_space<vmem>>, %arg12: memref<10240xi32, #tpu.memory_space<vmem>>, %arg13: memref<10240xf32, #tpu.memory_space<vmem>>) attributes {dimension_semantics = [#tpu.dimension_semantics<core_parallel>, #tpu.dimension_semantics<subcore_parallel>], iteration_bounds = array<i64: 2, 16>, scalar_prefetch = 0 : i64, scratch_operands = 6 : i64, tpu.core_type = #tpu.core_type<sc_vector_subcore>, window_params = [{transform_indices = #map}, {transform_indices = #map}, {transform_indices = #map}, {transform_indices = #map}, {transform_indices = #map}, {transform_indices = #map}]} {
    %mul3A = arith.constant 2 : i32
    %mul3A_0 = arith.muli %arg1, %mul3A : i32
    %add3A = arith.addi %mul3A_0, %arg0 : i32
    %mul3A_1 = arith.constant 10240 : i32
    %mul3A_2 = arith.muli %add3A, %mul3A_1 : i32
    "tpu.region"() ({
      %run_scoped3A = tpu.sem_alloc : memref<!tpu.dma_semaphore, #tpu.memory_space<semaphore_mem>>
      tpu.enqueue_dma source(%arg2 : memref<10000xf32, #tpu.memory_space<hbm>>) target(%arg8 : memref<10000xf32, #tpu.memory_space<vmem>>) target_semaphore(%run_scoped3A : memref<!tpu.dma_semaphore, #tpu.memory_space<semaphore_mem>>)
      tpu.wait_dma2 semaphore(%run_scoped3A : memref<!tpu.dma_semaphore, #tpu.memory_space<semaphore_mem>>) src(%arg2 : memref<10000xf32, #tpu.memory_space<hbm>>) dst(%arg8 : memref<10000xf32, #tpu.memory_space<vmem>>)
      tpu.yield
    }) : () -> ()
    "tpu.region"() ({
      %run_scoped3A = tpu.sem_alloc : memref<!tpu.dma_semaphore, #tpu.memory_space<semaphore_mem>>
      tpu.enqueue_dma source(%arg3 : memref<10000xf32, #tpu.memory_space<hbm>>) target(%arg9 : memref<10000xf32, #tpu.memory_space<vmem>>) target_semaphore(%run_scoped3A : memref<!tpu.dma_semaphore, #tpu.memory_space<semaphore_mem>>)
      tpu.wait_dma2 semaphore(%run_scoped3A : memref<!tpu.dma_semaphore, #tpu.memory_space<semaphore_mem>>) src(%arg3 : memref<10000xf32, #tpu.memory_space<hbm>>) dst(%arg9 : memref<10000xf32, #tpu.memory_space<vmem>>)
      tpu.yield
    }) : () -> ()
    "tpu.region"() ({
      %run_scoped3A = tpu.sem_alloc : memref<!tpu.dma_semaphore, #tpu.memory_space<semaphore_mem>>
      tpu.enqueue_dma source(%arg4 : memref<10000xf32, #tpu.memory_space<hbm>>) target(%arg10 : memref<10000xf32, #tpu.memory_space<vmem>>) target_semaphore(%run_scoped3A : memref<!tpu.dma_semaphore, #tpu.memory_space<semaphore_mem>>)
      tpu.wait_dma2 semaphore(%run_scoped3A : memref<!tpu.dma_semaphore, #tpu.memory_space<semaphore_mem>>) src(%arg4 : memref<10000xf32, #tpu.memory_space<hbm>>) dst(%arg10 : memref<10000xf32, #tpu.memory_space<vmem>>)
      tpu.yield
    }) : () -> ()
    "tpu.region"() ({
      %run_scoped3A = tpu.sem_alloc : memref<!tpu.dma_semaphore, #tpu.memory_space<semaphore_mem>>
      %dma_start3A = tpu.memref_slice %arg5[%mul3A_2] : memref<327680xi32, #tpu.memory_space<hbm>> -> memref<10240xi32, #tpu.memory_space<hbm>>
      %dma_start3A_8 = tpu.memref_slice %arg5[%mul3A_2] : memref<327680xi32, #tpu.memory_space<hbm>> -> memref<10240xi32, #tpu.memory_space<hbm>>
      tpu.enqueue_dma source(%dma_start3A_8 : memref<10240xi32, #tpu.memory_space<hbm>>) target(%arg11 : memref<10240xi32, #tpu.memory_space<vmem>>) target_semaphore(%run_scoped3A : memref<!tpu.dma_semaphore, #tpu.memory_space<semaphore_mem>>)
      %dma_wait3A = tpu.memref_slice %arg5[%mul3A_2] : memref<327680xi32, #tpu.memory_space<hbm>> -> memref<10240xi32, #tpu.memory_space<hbm>>
      %dma_wait3A_9 = tpu.memref_slice %arg5[%mul3A_2] : memref<327680xi32, #tpu.memory_space<hbm>> -> memref<10240xi32, #tpu.memory_space<hbm>>
      tpu.wait_dma2 semaphore(%run_scoped3A : memref<!tpu.dma_semaphore, #tpu.memory_space<semaphore_mem>>) src(%dma_wait3A_9 : memref<10240xi32, #tpu.memory_space<hbm>>) dst(%arg11 : memref<10240xi32, #tpu.memory_space<vmem>>)
      tpu.yield
    }) : () -> ()
    "tpu.region"() ({
      %run_scoped3A = tpu.sem_alloc : memref<!tpu.dma_semaphore, #tpu.memory_space<semaphore_mem>>
      %dma_start3A = tpu.memref_slice %arg6[%mul3A_2] : memref<327680xi32, #tpu.memory_space<hbm>> -> memref<10240xi32, #tpu.memory_space<hbm>>
      %dma_start3A_8 = tpu.memref_slice %arg6[%mul3A_2] : memref<327680xi32, #tpu.memory_space<hbm>> -> memref<10240xi32, #tpu.memory_space<hbm>>
      tpu.enqueue_dma source(%dma_start3A_8 : memref<10240xi32, #tpu.memory_space<hbm>>) target(%arg12 : memref<10240xi32, #tpu.memory_space<vmem>>) target_semaphore(%run_scoped3A : memref<!tpu.dma_semaphore, #tpu.memory_space<semaphore_mem>>)
      %dma_wait3A = tpu.memref_slice %arg6[%mul3A_2] : memref<327680xi32, #tpu.memory_space<hbm>> -> memref<10240xi32, #tpu.memory_space<hbm>>
      %dma_wait3A_9 = tpu.memref_slice %arg6[%mul3A_2] : memref<327680xi32, #tpu.memory_space<hbm>> -> memref<10240xi32, #tpu.memory_space<hbm>>
      tpu.wait_dma2 semaphore(%run_scoped3A : memref<!tpu.dma_semaphore, #tpu.memory_space<semaphore_mem>>) src(%dma_wait3A_9 : memref<10240xi32, #tpu.memory_space<hbm>>) dst(%arg12 : memref<10240xi32, #tpu.memory_space<vmem>>)
      tpu.yield
    }) : () -> ()
    %scan3A = arith.constant 0 : i32
    %scan3A_3 = arith.constant 0 : i32
    %scan3A_4 = arith.constant 640 : i32
    %scan3A_5 = arith.addi %scan3A_3, %scan3A_4 : i32
    %scan3A_6 = arith.constant 1 : i32
    scf.for %scan3A_8 = %scan3A_3 to %scan3A_5 step %scan3A_6  : i32 {
      %mul3A_9 = arith.constant 16 : i32
      %mul3A_10 = arith.muli %scan3A_8, %mul3A_9 : i32
      %get3A = arith.index_cast %mul3A_10 : i32 to index
      %get3A_11 = tpu.vector_load %arg11[%get3A] {strides = array<i32>} : memref<10240xi32, #tpu.memory_space<vmem>>, vector<16xi32>,
      %get3A_12 = arith.index_cast %mul3A_10 : i32 to index
      %get3A_13 = tpu.vector_load %arg12[%get3A_12] {strides = array<i32>} : memref<10240xi32, #tpu.memory_space<vmem>>, vector<16xi32>,
      %gather3A = tpu.vector_load_idx %arg8[%get3A_13] : memref<10000xf32, #tpu.memory_space<vmem>>[vector<16xi32>], vector<16xf32>,
      %gather3A_14 = tpu.vector_load_idx %arg8[%get3A_11] : memref<10000xf32, #tpu.memory_space<vmem>>[vector<16xi32>], vector<16xf32>,
      %sub3A = arith.subf %gather3A, %gather3A_14 : vector<16xf32>
      %gather3A_15 = tpu.vector_load_idx %arg9[%get3A_13] : memref<10000xf32, #tpu.memory_space<vmem>>[vector<16xi32>], vector<16xf32>,
      %gather3A_16 = tpu.vector_load_idx %arg9[%get3A_11] : memref<10000xf32, #tpu.memory_space<vmem>>[vector<16xi32>], vector<16xf32>,
      %sub3A_17 = arith.subf %gather3A_15, %gather3A_16 : vector<16xf32>
      %gather3A_18 = tpu.vector_load_idx %arg10[%get3A_13] : memref<10000xf32, #tpu.memory_space<vmem>>[vector<16xi32>], vector<16xf32>,
      %gather3A_19 = tpu.vector_load_idx %arg10[%get3A_11] : memref<10000xf32, #tpu.memory_space<vmem>>[vector<16xi32>], vector<16xf32>,
      %sub3A_20 = arith.subf %gather3A_18, %gather3A_19 : vector<16xf32>
      %mul3A_21 = arith.mulf %sub3A, %sub3A : vector<16xf32>
      %mul3A_22 = arith.mulf %sub3A_17, %sub3A_17 : vector<16xf32>
      %add3A_23 = arith.addf %mul3A_21, %mul3A_22 : vector<16xf32>
      %mul3A_24 = arith.mulf %sub3A_20, %sub3A_20 : vector<16xf32>
      %add3A_25 = arith.addf %add3A_23, %mul3A_24 : vector<16xf32>
      %swap3A = arith.index_cast %mul3A_10 : i32 to index
      %swap3A_26 = tpu.vector_load %arg13[%swap3A] {strides = array<i32>} : memref<10240xf32, #tpu.memory_space<vmem>>, vector<16xf32>,
      tpu.vector_store %arg13[%swap3A], %add3A_25 {strides = array<i32>} : memref<10240xf32, #tpu.memory_space<vmem>>, vector<16xf32>,
    }
    %scan3A_7 = arith.constant 640 : i32
    "tpu.region"() ({
      %run_scoped3A = tpu.sem_alloc : memref<!tpu.dma_semaphore, #tpu.memory_space<semaphore_mem>>
      %dma_start3A = tpu.memref_slice %arg7[%mul3A_2] : memref<327680xf32, #tpu.memory_space<hbm>> -> memref<10240xf32, #tpu.memory_space<hbm>>
      %dma_start3A_8 = tpu.memref_slice %arg7[%mul3A_2] : memref<327680xf32, #tpu.memory_space<hbm>> -> memref<10240xf32, #tpu.memory_space<hbm>>
      tpu.enqueue_dma source(%arg13 : memref<10240xf32, #tpu.memory_space<vmem>>) target(%dma_start3A_8 : memref<10240xf32, #tpu.memory_space<hbm>>) target_semaphore(%run_scoped3A : memref<!tpu.dma_semaphore, #tpu.memory_space<semaphore_mem>>)
      %dma_wait3A = tpu.memref_slice %arg7[%mul3A_2] : memref<327680xf32, #tpu.memory_space<hbm>> -> memref<10240xf32, #tpu.memory_space<hbm>>
      %dma_wait3A_9 = tpu.memref_slice %arg7[%mul3A_2] : memref<327680xf32, #tpu.memory_space<hbm>> -> memref<10240xf32, #tpu.memory_space<hbm>>
      tpu.wait_dma2 semaphore(%run_scoped3A : memref<!tpu.dma_semaphore, #tpu.memory_space<semaphore_mem>>) src(%arg13 : memref<10240xf32, #tpu.memory_space<vmem>>) dst(%dma_wait3A_9 : memref<10240xf32, #tpu.memory_space<hbm>>)
      tpu.yield
    }) : () -> ()
    return
  }
}

#map = affine_map<(d0, d1) -> (0, 0)>
#map1 = affine_map<(d0, d1) -> (0, 0, 0)>
module attributes {stable_mosaic.version = 14 : i64} {
  func.func @body(%arg0: i32, %arg1: i32, %arg2: memref<10240x128xf32, #tpu.memory_space<hbm>>, %arg3: memref<3x327680x128xf32, #tpu.memory_space<hbm>>, %arg4: memref<32x80x128xi32, #tpu.memory_space<hbm>>, %arg5: memref<32x80x128xi32, #tpu.memory_space<hbm>>, %arg6: memref<10240x128xf32, #tpu.memory_space<hbm>>, %arg7: memref<2x10240x128xf32, #tpu.memory_space<hbm>>, %arg8: memref<128xi32, #tpu.memory_space<vmem>>, %arg9: memref<80x128xi32, #tpu.memory_space<vmem>>, %arg10: memref<128x128xf32, #tpu.memory_space<vmem>>, %arg11: memref<128x128xf32, #tpu.memory_space<vmem>>, %arg12: memref<10240x128xf32, #tpu.memory_space<vmem_shared>>, %arg13: memref<!tpu.dma_semaphore, #tpu.memory_space<semaphore_mem>>, %arg14: memref<!tpu.dma_semaphore, #tpu.memory_space<semaphore_mem>>, %arg15: memref<!tpu.dma_semaphore, #tpu.memory_space<semaphore_mem>>) attributes {dimension_semantics = [#tpu.dimension_semantics<core_parallel>, #tpu.dimension_semantics<subcore_parallel>], iteration_bounds = array<i64: 2, 16>, scalar_prefetch = 0 : i64, scratch_operands = 8 : i64, tpu.core_type = #tpu.core_type<sc_vector_subcore>, window_params = [{transform_indices = #map}, {transform_indices = #map1}, {transform_indices = #map1}, {transform_indices = #map1}, {transform_indices = #map}, {transform_indices = #map1}]} {
    %mul3A = arith.constant 2 : i32
    %mul3A_0 = arith.muli %arg1, %mul3A : i32
    %add3A = arith.addi %mul3A_0, %arg0 : i32
    %mul3A_1 = arith.constant 640 : i32
    %mul3A_2 = arith.muli %arg1, %mul3A_1 : i32
    %mul3A_3 = arith.constant 640 : i32
    %mul3A_4 = arith.muli %arg1, %mul3A_3 : i32
    "tpu.region"() ({
      %run_scoped3A = tpu.sem_alloc : memref<!tpu.dma_semaphore, #tpu.memory_space<semaphore_mem>>
      %dma_start3A = arith.constant 0 : i32
      %dma_start3A_15 = tpu.memref_slice %arg12[%mul3A_4, %dma_start3A] : memref<10240x128xf32, #tpu.memory_space<vmem_shared>> -> memref<640x128xf32, #tpu.memory_space<vmem_shared>>
      %dma_start3A_16 = arith.constant 0 : i32
      %dma_start3A_17 = tpu.memref_slice %arg6[%mul3A_2, %dma_start3A_16] : memref<10240x128xf32, #tpu.memory_space<hbm>> -> memref<640x128xf32, #tpu.memory_space<hbm>>
      tpu.enqueue_dma source(%dma_start3A_17 : memref<640x128xf32, #tpu.memory_space<hbm>>) target(%dma_start3A_15 : memref<640x128xf32, #tpu.memory_space<vmem_shared>>) target_semaphore(%run_scoped3A : memref<!tpu.dma_semaphore, #tpu.memory_space<semaphore_mem>>)
      %dma_wait3A = arith.constant 0 : i32
      %dma_wait3A_18 = tpu.memref_slice %arg12[%mul3A_4, %dma_wait3A] : memref<10240x128xf32, #tpu.memory_space<vmem_shared>> -> memref<640x128xf32, #tpu.memory_space<vmem_shared>>
      %dma_wait3A_19 = arith.constant 0 : i32
      %dma_wait3A_20 = tpu.memref_slice %arg6[%mul3A_2, %dma_wait3A_19] : memref<10240x128xf32, #tpu.memory_space<hbm>> -> memref<640x128xf32, #tpu.memory_space<hbm>>
      tpu.wait_dma2 semaphore(%run_scoped3A : memref<!tpu.dma_semaphore, #tpu.memory_space<semaphore_mem>>) src(%dma_wait3A_20 : memref<640x128xf32, #tpu.memory_space<hbm>>) dst(%dma_wait3A_18 : memref<640x128xf32, #tpu.memory_space<vmem_shared>>)
      tpu.yield
    }) : () -> ()
    "tpu.region"() ({
      %run_scoped3A = tpu.sem_alloc : memref<!tpu.dma_semaphore, #tpu.memory_space<semaphore_mem>>
      %dma_start3A = arith.constant 0 : i32
      %dma_start3A_15 = arith.constant 0 : i32
      %dma_start3A_16 = tpu.memref_slice %arg5[%add3A, %dma_start3A, %dma_start3A_15] : memref<32x80x128xi32, #tpu.memory_space<hbm>> -> memref<1x80x128xi32, #tpu.memory_space<hbm>>
      %dma_start3A_17 = tpu.memref_squeeze %dma_start3A_16 : memref<1x80x128xi32, #tpu.memory_space<hbm>> -> memref<80x128xi32, #tpu.memory_space<hbm>>
      %dma_start3A_18 = arith.constant 0 : i32
      %dma_start3A_19 = arith.constant 0 : i32
      %dma_start3A_20 = tpu.memref_slice %arg5[%add3A, %dma_start3A_18, %dma_start3A_19] : memref<32x80x128xi32, #tpu.memory_space<hbm>> -> memref<1x80x128xi32, #tpu.memory_space<hbm>>
      %dma_start3A_21 = tpu.memref_squeeze %dma_start3A_20 : memref<1x80x128xi32, #tpu.memory_space<hbm>> -> memref<80x128xi32, #tpu.memory_space<hbm>>
      tpu.enqueue_dma source(%dma_start3A_21 : memref<80x128xi32, #tpu.memory_space<hbm>>) target(%arg9 : memref<80x128xi32, #tpu.memory_space<vmem>>) target_semaphore(%run_scoped3A : memref<!tpu.dma_semaphore, #tpu.memory_space<semaphore_mem>>)
      %dma_wait3A = arith.constant 0 : i32
      %dma_wait3A_22 = arith.constant 0 : i32
      %dma_wait3A_23 = tpu.memref_slice %arg5[%add3A, %dma_wait3A, %dma_wait3A_22] : memref<32x80x128xi32, #tpu.memory_space<hbm>> -> memref<1x80x128xi32, #tpu.memory_space<hbm>>
      %dma_wait3A_24 = tpu.memref_squeeze %dma_wait3A_23 : memref<1x80x128xi32, #tpu.memory_space<hbm>> -> memref<80x128xi32, #tpu.memory_space<hbm>>
      %dma_wait3A_25 = arith.constant 0 : i32
      %dma_wait3A_26 = arith.constant 0 : i32
      %dma_wait3A_27 = tpu.memref_slice %arg5[%add3A, %dma_wait3A_25, %dma_wait3A_26] : memref<32x80x128xi32, #tpu.memory_space<hbm>> -> memref<1x80x128xi32, #tpu.memory_space<hbm>>
      %dma_wait3A_28 = tpu.memref_squeeze %dma_wait3A_27 : memref<1x80x128xi32, #tpu.memory_space<hbm>> -> memref<80x128xi32, #tpu.memory_space<hbm>>
      tpu.wait_dma2 semaphore(%run_scoped3A : memref<!tpu.dma_semaphore, #tpu.memory_space<semaphore_mem>>) src(%dma_wait3A_28 : memref<80x128xi32, #tpu.memory_space<hbm>>) dst(%arg9 : memref<80x128xi32, #tpu.memory_space<vmem>>)
      tpu.yield
    }) : () -> ()
    %barrier3A = arith.constant 0 : index
    tpu.barrier barrier_id(%barrier3A)
    %scan3A = arith.constant 0 : i32
    %scan3A_5 = arith.constant 0 : i32
    %scan3A_6 = arith.constant 80 : i32
    %scan3A_7 = arith.addi %scan3A_5, %scan3A_6 : i32
    %scan3A_8 = arith.constant 1 : i32
    scf.for %scan3A_15 = %scan3A_5 to %scan3A_7 step %scan3A_8  : i32 {
      %mul3A_16 = arith.constant 10240 : i32
      %mul3A_17 = arith.muli %add3A, %mul3A_16 : i32
      %mul3A_18 = arith.constant 128 : i32
      %mul3A_19 = arith.muli %scan3A_15, %mul3A_18 : i32
      %add3A_20 = arith.addi %mul3A_17, %mul3A_19 : i32
      %dma_start3A = arith.constant 0 : i32
      %dma_start3A_21 = tpu.memref_slice %arg4[%add3A, %scan3A_15, %dma_start3A] : memref<32x80x128xi32, #tpu.memory_space<hbm>> -> memref<1x1x128xi32, #tpu.memory_space<hbm>>
      %dma_start3A_22 = tpu.memref_squeeze %dma_start3A_21 : memref<1x1x128xi32, #tpu.memory_space<hbm>> -> memref<128xi32, #tpu.memory_space<hbm>>
      %dma_start3A_23 = arith.constant 0 : i32
      %dma_start3A_24 = tpu.memref_slice %arg4[%add3A, %scan3A_15, %dma_start3A_23] : memref<32x80x128xi32, #tpu.memory_space<hbm>> -> memref<1x1x128xi32, #tpu.memory_space<hbm>>
      %dma_start3A_25 = tpu.memref_squeeze %dma_start3A_24 : memref<1x1x128xi32, #tpu.memory_space<hbm>> -> memref<128xi32, #tpu.memory_space<hbm>>
      tpu.enqueue_dma source(%dma_start3A_25 : memref<128xi32, #tpu.memory_space<hbm>>) target(%arg8 : memref<128xi32, #tpu.memory_space<vmem>>) target_semaphore(%arg13 : memref<!tpu.dma_semaphore, #tpu.memory_space<semaphore_mem>>)
      %dma_start3A_26 = arith.constant 2 : i32
      %dma_start3A_27 = arith.constant 0 : i32
      %dma_start3A_28 = tpu.memref_slice %arg3[%dma_start3A_26, %add3A_20, %dma_start3A_27] : memref<3x327680x128xf32, #tpu.memory_space<hbm>> -> memref<1x128x128xf32, #tpu.memory_space<hbm>>
      %dma_start3A_29 = tpu.memref_squeeze %dma_start3A_28 : memref<1x128x128xf32, #tpu.memory_space<hbm>> -> memref<128x128xf32, #tpu.memory_space<hbm>>
      %dma_start3A_30 = arith.constant 0 : i32
      %dma_start3A_31 = tpu.memref_slice %arg3[%dma_start3A_26, %add3A_20, %dma_start3A_30] : memref<3x327680x128xf32, #tpu.memory_space<hbm>> -> memref<1x128x128xf32, #tpu.memory_space<hbm>>
      %dma_start3A_32 = tpu.memref_squeeze %dma_start3A_31 : memref<1x128x128xf32, #tpu.memory_space<hbm>> -> memref<128x128xf32, #tpu.memory_space<hbm>>
      tpu.enqueue_dma source(%dma_start3A_32 : memref<128x128xf32, #tpu.memory_space<hbm>>) target(%arg11 : memref<128x128xf32, #tpu.memory_space<vmem>>) target_semaphore(%arg14 : memref<!tpu.dma_semaphore, #tpu.memory_space<semaphore_mem>>)
      %dma_wait3A = arith.constant 0 : i32
      %dma_wait3A_33 = tpu.memref_slice %arg4[%add3A, %scan3A_15, %dma_wait3A] : memref<32x80x128xi32, #tpu.memory_space<hbm>> -> memref<1x1x128xi32, #tpu.memory_space<hbm>>
      %dma_wait3A_34 = tpu.memref_squeeze %dma_wait3A_33 : memref<1x1x128xi32, #tpu.memory_space<hbm>> -> memref<128xi32, #tpu.memory_space<hbm>>
      %dma_wait3A_35 = arith.constant 0 : i32
      %dma_wait3A_36 = tpu.memref_slice %arg4[%add3A, %scan3A_15, %dma_wait3A_35] : memref<32x80x128xi32, #tpu.memory_space<hbm>> -> memref<1x1x128xi32, #tpu.memory_space<hbm>>
      %dma_wait3A_37 = tpu.memref_squeeze %dma_wait3A_36 : memref<1x1x128xi32, #tpu.memory_space<hbm>> -> memref<128xi32, #tpu.memory_space<hbm>>
      tpu.wait_dma2 semaphore(%arg13 : memref<!tpu.dma_semaphore, #tpu.memory_space<semaphore_mem>>) src(%dma_wait3A_37 : memref<128xi32, #tpu.memory_space<hbm>>) dst(%arg8 : memref<128xi32, #tpu.memory_space<vmem>>)
      %dma_start3A_38 = arith.constant 0 : i32
      %dma_start3A_39 = arith.constant 0 : i32
      %dma_start3A_40 = tpu.memref_slice %arg2[%dma_start3A_38, %dma_start3A_39] : memref<10240x128xf32, #tpu.memory_space<hbm>> -> memref<10240x128xf32, #tpu.memory_space<hbm>>
      tpu.enqueue_indirect_dma source(%dma_start3A_40 : memref<10240x128xf32, #tpu.memory_space<hbm>>) target(%arg10 : memref<128x128xf32, #tpu.memory_space<vmem>>) offsets(%arg8 : memref<128xi32, #tpu.memory_space<vmem>>) semaphore(%arg15 : memref<!tpu.dma_semaphore, #tpu.memory_space<semaphore_mem>>)
      %dma_wait3A_41 = arith.constant 2 : i32
      %dma_wait3A_42 = arith.constant 0 : i32
      %dma_wait3A_43 = tpu.memref_slice %arg3[%dma_wait3A_41, %add3A_20, %dma_wait3A_42] : memref<3x327680x128xf32, #tpu.memory_space<hbm>> -> memref<1x128x128xf32, #tpu.memory_space<hbm>>
      %dma_wait3A_44 = tpu.memref_squeeze %dma_wait3A_43 : memref<1x128x128xf32, #tpu.memory_space<hbm>> -> memref<128x128xf32, #tpu.memory_space<hbm>>
      %dma_wait3A_45 = arith.constant 0 : i32
      %dma_wait3A_46 = tpu.memref_slice %arg3[%dma_wait3A_41, %add3A_20, %dma_wait3A_45] : memref<3x327680x128xf32, #tpu.memory_space<hbm>> -> memref<1x128x128xf32, #tpu.memory_space<hbm>>
      %dma_wait3A_47 = tpu.memref_squeeze %dma_wait3A_46 : memref<1x128x128xf32, #tpu.memory_space<hbm>> -> memref<128x128xf32, #tpu.memory_space<hbm>>
      tpu.wait_dma2 semaphore(%arg14 : memref<!tpu.dma_semaphore, #tpu.memory_space<semaphore_mem>>) src(%dma_wait3A_47 : memref<128x128xf32, #tpu.memory_space<hbm>>) dst(%arg11 : memref<128x128xf32, #tpu.memory_space<vmem>>)
      %dma_wait3A_48 = arith.constant 0 : i32
      %dma_wait3A_49 = arith.constant 0 : i32
      %dma_wait3A_50 = tpu.memref_slice %arg2[%dma_wait3A_48, %dma_wait3A_49] : memref<10240x128xf32, #tpu.memory_space<hbm>> -> memref<10240x128xf32, #tpu.memory_space<hbm>>
      tpu.wait_indirect_dma semaphore(%arg15 : memref<!tpu.dma_semaphore, #tpu.memory_space<semaphore_mem>>) src(%dma_wait3A_50 : memref<10240x128xf32, #tpu.memory_space<hbm>>) dst(%arg10 : memref<128x128xf32, #tpu.memory_space<vmem>>)
      %scan3A_51 = arith.constant 0 : i32
      %scan3A_52 = arith.constant 0 : i32
      %scan3A_53 = arith.constant 128 : i32
      %scan3A_54 = arith.addi %scan3A_52, %scan3A_53 : i32
      %scan3A_55 = arith.constant 1 : i32
      scf.for %scan3A_57 = %scan3A_52 to %scan3A_54 step %scan3A_55  : i32 {
        %get3A = arith.index_cast %scan3A_57 : i32 to index
        %get3A_58 = arith.constant 0 : index
        %get3A_59 = tpu.vector_load %arg10[%get3A, %get3A_58] {strides = array<i32>} : memref<128x128xf32, #tpu.memory_space<vmem>>, vector<16xf32>,
        %get3A_60 = arith.index_cast %scan3A_57 : i32 to index
        %get3A_61 = arith.constant 0 : index
        %get3A_62 = tpu.vector_load %arg11[%get3A_60, %get3A_61] {strides = array<i32>} : memref<128x128xf32, #tpu.memory_space<vmem>>, vector<16xf32>,
        %mul3A_63 = arith.mulf %get3A_59, %get3A_62 : vector<16xf32>
        %swap3A = arith.index_cast %scan3A_57 : i32 to index
        %swap3A_64 = arith.constant 0 : index
        %swap3A_65 = tpu.vector_load %arg10[%swap3A, %swap3A_64] {strides = array<i32>} : memref<128x128xf32, #tpu.memory_space<vmem>>, vector<16xf32>,
        tpu.vector_store %arg10[%swap3A, %swap3A_64], %mul3A_63 {strides = array<i32>} : memref<128x128xf32, #tpu.memory_space<vmem>>, vector<16xf32>,
        %get3A_66 = arith.index_cast %scan3A_57 : i32 to index
        %get3A_67 = arith.constant 16 : index
        %get3A_68 = tpu.vector_load %arg10[%get3A_66, %get3A_67] {strides = array<i32>} : memref<128x128xf32, #tpu.memory_space<vmem>>, vector<16xf32>,
        %get3A_69 = arith.index_cast %scan3A_57 : i32 to index
        %get3A_70 = arith.constant 16 : index
        %get3A_71 = tpu.vector_load %arg11[%get3A_69, %get3A_70] {strides = array<i32>} : memref<128x128xf32, #tpu.memory_space<vmem>>, vector<16xf32>,
        %mul3A_72 = arith.mulf %get3A_68, %get3A_71 : vector<16xf32>
        %swap3A_73 = arith.index_cast %scan3A_57 : i32 to index
        %swap3A_74 = arith.constant 16 : index
        %swap3A_75 = tpu.vector_load %arg10[%swap3A_73, %swap3A_74] {strides = array<i32>} : memref<128x128xf32, #tpu.memory_space<vmem>>, vector<16xf32>,
        tpu.vector_store %arg10[%swap3A_73, %swap3A_74], %mul3A_72 {strides = array<i32>} : memref<128x128xf32, #tpu.memory_space<vmem>>, vector<16xf32>,
        %get3A_76 = arith.index_cast %scan3A_57 : i32 to index
        %get3A_77 = arith.constant 32 : index
        %get3A_78 = tpu.vector_load %arg10[%get3A_76, %get3A_77] {strides = array<i32>} : memref<128x128xf32, #tpu.memory_space<vmem>>, vector<16xf32>,
        %get3A_79 = arith.index_cast %scan3A_57 : i32 to index
        %get3A_80 = arith.constant 32 : index
        %get3A_81 = tpu.vector_load %arg11[%get3A_79, %get3A_80] {strides = array<i32>} : memref<128x128xf32, #tpu.memory_space<vmem>>, vector<16xf32>,
        %mul3A_82 = arith.mulf %get3A_78, %get3A_81 : vector<16xf32>
        %swap3A_83 = arith.index_cast %scan3A_57 : i32 to index
        %swap3A_84 = arith.constant 32 : index
        %swap3A_85 = tpu.vector_load %arg10[%swap3A_83, %swap3A_84] {strides = array<i32>} : memref<128x128xf32, #tpu.memory_space<vmem>>, vector<16xf32>,
        tpu.vector_store %arg10[%swap3A_83, %swap3A_84], %mul3A_82 {strides = array<i32>} : memref<128x128xf32, #tpu.memory_space<vmem>>, vector<16xf32>,
        %get3A_86 = arith.index_cast %scan3A_57 : i32 to index
        %get3A_87 = arith.constant 48 : index
        %get3A_88 = tpu.vector_load %arg10[%get3A_86, %get3A_87] {strides = array<i32>} : memref<128x128xf32, #tpu.memory_space<vmem>>, vector<16xf32>,
        %get3A_89 = arith.index_cast %scan3A_57 : i32 to index
        %get3A_90 = arith.constant 48 : index
        %get3A_91 = tpu.vector_load %arg11[%get3A_89, %get3A_90] {strides = array<i32>} : memref<128x128xf32, #tpu.memory_space<vmem>>, vector<16xf32>,
        %mul3A_92 = arith.mulf %get3A_88, %get3A_91 : vector<16xf32>
        %swap3A_93 = arith.index_cast %scan3A_57 : i32 to index
        %swap3A_94 = arith.constant 48 : index
        %swap3A_95 = tpu.vector_load %arg10[%swap3A_93, %swap3A_94] {strides = array<i32>} : memref<128x128xf32, #tpu.memory_space<vmem>>, vector<16xf32>,
        tpu.vector_store %arg10[%swap3A_93, %swap3A_94], %mul3A_92 {strides = array<i32>} : memref<128x128xf32, #tpu.memory_space<vmem>>, vector<16xf32>,
        %get3A_96 = arith.index_cast %scan3A_57 : i32 to index
        %get3A_97 = arith.constant 64 : index
        %get3A_98 = tpu.vector_load %arg10[%get3A_96, %get3A_97] {strides = array<i32>} : memref<128x128xf32, #tpu.memory_space<vmem>>, vector<16xf32>,
        %get3A_99 = arith.index_cast %scan3A_57 : i32 to index
        %get3A_100 = arith.constant 64 : index
        %get3A_101 = tpu.vector_load %arg11[%get3A_99, %get3A_100] {strides = array<i32>} : memref<128x128xf32, #tpu.memory_space<vmem>>, vector<16xf32>,
        %mul3A_102 = arith.mulf %get3A_98, %get3A_101 : vector<16xf32>
        %swap3A_103 = arith.index_cast %scan3A_57 : i32 to index
        %swap3A_104 = arith.constant 64 : index
        %swap3A_105 = tpu.vector_load %arg10[%swap3A_103, %swap3A_104] {strides = array<i32>} : memref<128x128xf32, #tpu.memory_space<vmem>>, vector<16xf32>,
        tpu.vector_store %arg10[%swap3A_103, %swap3A_104], %mul3A_102 {strides = array<i32>} : memref<128x128xf32, #tpu.memory_space<vmem>>, vector<16xf32>,
        %get3A_106 = arith.index_cast %scan3A_57 : i32 to index
        %get3A_107 = arith.constant 80 : index
        %get3A_108 = tpu.vector_load %arg10[%get3A_106, %get3A_107] {strides = array<i32>} : memref<128x128xf32, #tpu.memory_space<vmem>>, vector<16xf32>,
        %get3A_109 = arith.index_cast %scan3A_57 : i32 to index
        %get3A_110 = arith.constant 80 : index
        %get3A_111 = tpu.vector_load %arg11[%get3A_109, %get3A_110] {strides = array<i32>} : memref<128x128xf32, #tpu.memory_space<vmem>>, vector<16xf32>,
        %mul3A_112 = arith.mulf %get3A_108, %get3A_111 : vector<16xf32>
        %swap3A_113 = arith.index_cast %scan3A_57 : i32 to index
        %swap3A_114 = arith.constant 80 : index
        %swap3A_115 = tpu.vector_load %arg10[%swap3A_113, %swap3A_114] {strides = array<i32>} : memref<128x128xf32, #tpu.memory_space<vmem>>, vector<16xf32>,
        tpu.vector_store %arg10[%swap3A_113, %swap3A_114], %mul3A_112 {strides = array<i32>} : memref<128x128xf32, #tpu.memory_space<vmem>>, vector<16xf32>,
        %get3A_116 = arith.index_cast %scan3A_57 : i32 to index
        %get3A_117 = arith.constant 96 : index
        %get3A_118 = tpu.vector_load %arg10[%get3A_116, %get3A_117] {strides = array<i32>} : memref<128x128xf32, #tpu.memory_space<vmem>>, vector<16xf32>,
        %get3A_119 = arith.index_cast %scan3A_57 : i32 to index
        %get3A_120 = arith.constant 96 : index
        %get3A_121 = tpu.vector_load %arg11[%get3A_119, %get3A_120] {strides = array<i32>} : memref<128x128xf32, #tpu.memory_space<vmem>>, vector<16xf32>,
        %mul3A_122 = arith.mulf %get3A_118, %get3A_121 : vector<16xf32>
        %swap3A_123 = arith.index_cast %scan3A_57 : i32 to index
        %swap3A_124 = arith.constant 96 : index
        %swap3A_125 = tpu.vector_load %arg10[%swap3A_123, %swap3A_124] {strides = array<i32>} : memref<128x128xf32, #tpu.memory_space<vmem>>, vector<16xf32>,
        tpu.vector_store %arg10[%swap3A_123, %swap3A_124], %mul3A_122 {strides = array<i32>} : memref<128x128xf32, #tpu.memory_space<vmem>>, vector<16xf32>,
        %get3A_126 = arith.index_cast %scan3A_57 : i32 to index
        %get3A_127 = arith.constant 112 : index
        %get3A_128 = tpu.vector_load %arg10[%get3A_126, %get3A_127] {strides = array<i32>} : memref<128x128xf32, #tpu.memory_space<vmem>>, vector<16xf32>,
        %get3A_129 = arith.index_cast %scan3A_57 : i32 to index
        %get3A_130 = arith.constant 112 : index
        %get3A_131 = tpu.vector_load %arg11[%get3A_129, %get3A_130] {strides = array<i32>} : memref<128x128xf32, #tpu.memory_space<vmem>>, vector<16xf32>,
        %mul3A_132 = arith.mulf %get3A_128, %get3A_131 : vector<16xf32>
        %swap3A_133 = arith.index_cast %scan3A_57 : i32 to index
        %swap3A_134 = arith.constant 112 : index
        %swap3A_135 = tpu.vector_load %arg10[%swap3A_133, %swap3A_134] {strides = array<i32>} : memref<128x128xf32, #tpu.memory_space<vmem>>, vector<16xf32>,
        tpu.vector_store %arg10[%swap3A_133, %swap3A_134], %mul3A_132 {strides = array<i32>} : memref<128x128xf32, #tpu.memory_space<vmem>>, vector<16xf32>,
      }
      %scan3A_56 = arith.constant 128 : i32
      "tpu.region"() ({
        %run_scoped3A = tpu.sem_alloc : memref<!tpu.dma_semaphore, #tpu.memory_space<semaphore_mem>>
        %dma_start3A_57 = arith.constant 0 : i32
        %dma_start3A_58 = tpu.memref_slice %arg9[%scan3A_15, %dma_start3A_57] : memref<80x128xi32, #tpu.memory_space<vmem>> -> memref<1x128xi32, #tpu.memory_space<vmem>>
        %dma_start3A_59 = tpu.memref_squeeze %dma_start3A_58 : memref<1x128xi32, #tpu.memory_space<vmem>> -> memref<128xi32, #tpu.memory_space<vmem>>
        %dma_start3A_60 = arith.constant 0 : i32
        %dma_start3A_61 = arith.constant 0 : i32
        %dma_start3A_62 = tpu.memref_slice %arg12[%dma_start3A_60, %dma_start3A_61] : memref<10240x128xf32, #tpu.memory_space<vmem_shared>> -> memref<10240x128xf32, #tpu.memory_space<vmem_shared>>
        tpu.enqueue_indirect_dma source(%arg10 : memref<128x128xf32, #tpu.memory_space<vmem>>) target(%dma_start3A_62 : memref<10240x128xf32, #tpu.memory_space<vmem_shared>>) offsets(%dma_start3A_59 : memref<128xi32, #tpu.memory_space<vmem>>) semaphore(%run_scoped3A : memref<!tpu.dma_semaphore, #tpu.memory_space<semaphore_mem>>) {add = true}
        %dma_wait3A_63 = arith.constant 0 : i32
        %dma_wait3A_64 = tpu.memref_slice %arg9[%scan3A_15, %dma_wait3A_63] : memref<80x128xi32, #tpu.memory_space<vmem>> -> memref<1x128xi32, #tpu.memory_space<vmem>>
        %dma_wait3A_65 = tpu.memref_squeeze %dma_wait3A_64 : memref<1x128xi32, #tpu.memory_space<vmem>> -> memref<128xi32, #tpu.memory_space<vmem>>
        %dma_wait3A_66 = arith.constant 0 : i32
        %dma_wait3A_67 = arith.constant 0 : i32
        %dma_wait3A_68 = tpu.memref_slice %arg12[%dma_wait3A_66, %dma_wait3A_67] : memref<10240x128xf32, #tpu.memory_space<vmem_shared>> -> memref<10240x128xf32, #tpu.memory_space<vmem_shared>>
        tpu.wait_indirect_dma semaphore(%run_scoped3A : memref<!tpu.dma_semaphore, #tpu.memory_space<semaphore_mem>>) src(%arg10 : memref<128x128xf32, #tpu.memory_space<vmem>>) dst(%dma_wait3A_68 : memref<10240x128xf32, #tpu.memory_space<vmem_shared>>)
        tpu.yield
      }) : () -> ()
    }
    %scan3A_9 = arith.constant 80 : i32
    %barrier3A_10 = arith.constant 0 : index
    tpu.barrier barrier_id(%barrier3A_10)
    %mul3A_11 = arith.constant 640 : i32
    %mul3A_12 = arith.muli %arg1, %mul3A_11 : i32
    %mul3A_13 = arith.constant 640 : i32
    %mul3A_14 = arith.muli %arg1, %mul3A_13 : i32
    "tpu.region"() ({
      %run_scoped3A = tpu.sem_alloc : memref<!tpu.dma_semaphore, #tpu.memory_space<semaphore_mem>>
      %dma_start3A = arith.constant 0 : i32
      %dma_start3A_15 = tpu.memref_slice %arg7[%arg0, %mul3A_14, %dma_start3A] : memref<2x10240x128xf32, #tpu.memory_space<hbm>> -> memref<1x640x128xf32, #tpu.memory_space<hbm>>
      %dma_start3A_16 = tpu.memref_squeeze %dma_start3A_15 : memref<1x640x128xf32, #tpu.memory_space<hbm>> -> memref<640x128xf32, #tpu.memory_space<hbm>>
      %dma_start3A_17 = arith.constant 0 : i32
      %dma_start3A_18 = tpu.memref_slice %arg12[%mul3A_12, %dma_start3A_17] : memref<10240x128xf32, #tpu.memory_space<vmem_shared>> -> memref<640x128xf32, #tpu.memory_space<vmem_shared>>
      tpu.enqueue_dma source(%dma_start3A_18 : memref<640x128xf32, #tpu.memory_space<vmem_shared>>) target(%dma_start3A_16 : memref<640x128xf32, #tpu.memory_space<hbm>>) target_semaphore(%run_scoped3A : memref<!tpu.dma_semaphore, #tpu.memory_space<semaphore_mem>>)
      %dma_wait3A = arith.constant 0 : i32
      %dma_wait3A_19 = tpu.memref_slice %arg7[%arg0, %mul3A_14, %dma_wait3A] : memref<2x10240x128xf32, #tpu.memory_space<hbm>> -> memref<1x640x128xf32, #tpu.memory_space<hbm>>
      %dma_wait3A_20 = tpu.memref_squeeze %dma_wait3A_19 : memref<1x640x128xf32, #tpu.memory_space<hbm>> -> memref<640x128xf32, #tpu.memory_space<hbm>>
      %dma_wait3A_21 = arith.constant 0 : i32
      %dma_wait3A_22 = tpu.memref_slice %arg12[%mul3A_12, %dma_wait3A_21] : memref<10240x128xf32, #tpu.memory_space<vmem_shared>> -> memref<640x128xf32, #tpu.memory_space<vmem_shared>>
      tpu.wait_dma2 semaphore(%run_scoped3A : memref<!tpu.dma_semaphore, #tpu.memory_space<semaphore_mem>>) src(%dma_wait3A_22 : memref<640x128xf32, #tpu.memory_space<vmem_shared>>) dst(%dma_wait3A_20 : memref<640x128xf32, #tpu.memory_space<hbm>>)
      tpu.yield
    }) : () -> ()
    return
  }
}

#map = affine_map<(d0, d1) -> (0, 0)>
#map1 = affine_map<(d0, d1) -> (0, 0, 0)>
module attributes {stable_mosaic.version = 14 : i64} {
  func.func @body(%arg0: i32, %arg1: i32, %arg2: memref<10240x128xf32, #tpu.memory_space<hbm>>, %arg3: memref<3x327680x128xf32, #tpu.memory_space<hbm>>, %arg4: memref<32x80x128xi32, #tpu.memory_space<hbm>>, %arg5: memref<32x80x128xi32, #tpu.memory_space<hbm>>, %arg6: memref<10240x128xf32, #tpu.memory_space<hbm>>, %arg7: memref<2x10240x128xf32, #tpu.memory_space<hbm>>, %arg8: memref<128xi32, #tpu.memory_space<vmem>>, %arg9: memref<80x128xi32, #tpu.memory_space<vmem>>, %arg10: memref<128x128xf32, #tpu.memory_space<vmem>>, %arg11: memref<128x128xf32, #tpu.memory_space<vmem>>, %arg12: memref<10240x128xf32, #tpu.memory_space<vmem_shared>>, %arg13: memref<!tpu.dma_semaphore, #tpu.memory_space<semaphore_mem>>, %arg14: memref<!tpu.dma_semaphore, #tpu.memory_space<semaphore_mem>>, %arg15: memref<!tpu.dma_semaphore, #tpu.memory_space<semaphore_mem>>) attributes {dimension_semantics = [#tpu.dimension_semantics<core_parallel>, #tpu.dimension_semantics<subcore_parallel>], iteration_bounds = array<i64: 2, 16>, scalar_prefetch = 0 : i64, scratch_operands = 8 : i64, tpu.core_type = #tpu.core_type<sc_vector_subcore>, window_params = [{transform_indices = #map}, {transform_indices = #map1}, {transform_indices = #map1}, {transform_indices = #map1}, {transform_indices = #map}, {transform_indices = #map1}]} {
    %mul3A = arith.constant 2 : i32
    %mul3A_0 = arith.muli %arg1, %mul3A : i32
    %add3A = arith.addi %mul3A_0, %arg0 : i32
    %mul3A_1 = arith.constant 640 : i32
    %mul3A_2 = arith.muli %arg1, %mul3A_1 : i32
    %mul3A_3 = arith.constant 640 : i32
    %mul3A_4 = arith.muli %arg1, %mul3A_3 : i32
    "tpu.region"() ({
      %run_scoped3A = tpu.sem_alloc : memref<!tpu.dma_semaphore, #tpu.memory_space<semaphore_mem>>
      %dma_start3A = arith.constant 0 : i32
      %dma_start3A_15 = tpu.memref_slice %arg12[%mul3A_4, %dma_start3A] : memref<10240x128xf32, #tpu.memory_space<vmem_shared>> -> memref<640x128xf32, #tpu.memory_space<vmem_shared>>
      %dma_start3A_16 = arith.constant 0 : i32
      %dma_start3A_17 = tpu.memref_slice %arg6[%mul3A_2, %dma_start3A_16] : memref<10240x128xf32, #tpu.memory_space<hbm>> -> memref<640x128xf32, #tpu.memory_space<hbm>>
      tpu.enqueue_dma source(%dma_start3A_17 : memref<640x128xf32, #tpu.memory_space<hbm>>) target(%dma_start3A_15 : memref<640x128xf32, #tpu.memory_space<vmem_shared>>) target_semaphore(%run_scoped3A : memref<!tpu.dma_semaphore, #tpu.memory_space<semaphore_mem>>)
      %dma_wait3A = arith.constant 0 : i32
      %dma_wait3A_18 = tpu.memref_slice %arg12[%mul3A_4, %dma_wait3A] : memref<10240x128xf32, #tpu.memory_space<vmem_shared>> -> memref<640x128xf32, #tpu.memory_space<vmem_shared>>
      %dma_wait3A_19 = arith.constant 0 : i32
      %dma_wait3A_20 = tpu.memref_slice %arg6[%mul3A_2, %dma_wait3A_19] : memref<10240x128xf32, #tpu.memory_space<hbm>> -> memref<640x128xf32, #tpu.memory_space<hbm>>
      tpu.wait_dma2 semaphore(%run_scoped3A : memref<!tpu.dma_semaphore, #tpu.memory_space<semaphore_mem>>) src(%dma_wait3A_20 : memref<640x128xf32, #tpu.memory_space<hbm>>) dst(%dma_wait3A_18 : memref<640x128xf32, #tpu.memory_space<vmem_shared>>)
      tpu.yield
    }) : () -> ()
    "tpu.region"() ({
      %run_scoped3A = tpu.sem_alloc : memref<!tpu.dma_semaphore, #tpu.memory_space<semaphore_mem>>
      %dma_start3A = arith.constant 0 : i32
      %dma_start3A_15 = arith.constant 0 : i32
      %dma_start3A_16 = tpu.memref_slice %arg5[%add3A, %dma_start3A, %dma_start3A_15] : memref<32x80x128xi32, #tpu.memory_space<hbm>> -> memref<1x80x128xi32, #tpu.memory_space<hbm>>
      %dma_start3A_17 = tpu.memref_squeeze %dma_start3A_16 : memref<1x80x128xi32, #tpu.memory_space<hbm>> -> memref<80x128xi32, #tpu.memory_space<hbm>>
      %dma_start3A_18 = arith.constant 0 : i32
      %dma_start3A_19 = arith.constant 0 : i32
      %dma_start3A_20 = tpu.memref_slice %arg5[%add3A, %dma_start3A_18, %dma_start3A_19] : memref<32x80x128xi32, #tpu.memory_space<hbm>> -> memref<1x80x128xi32, #tpu.memory_space<hbm>>
      %dma_start3A_21 = tpu.memref_squeeze %dma_start3A_20 : memref<1x80x128xi32, #tpu.memory_space<hbm>> -> memref<80x128xi32, #tpu.memory_space<hbm>>
      tpu.enqueue_dma source(%dma_start3A_21 : memref<80x128xi32, #tpu.memory_space<hbm>>) target(%arg9 : memref<80x128xi32, #tpu.memory_space<vmem>>) target_semaphore(%run_scoped3A : memref<!tpu.dma_semaphore, #tpu.memory_space<semaphore_mem>>)
      %dma_wait3A = arith.constant 0 : i32
      %dma_wait3A_22 = arith.constant 0 : i32
      %dma_wait3A_23 = tpu.memref_slice %arg5[%add3A, %dma_wait3A, %dma_wait3A_22] : memref<32x80x128xi32, #tpu.memory_space<hbm>> -> memref<1x80x128xi32, #tpu.memory_space<hbm>>
      %dma_wait3A_24 = tpu.memref_squeeze %dma_wait3A_23 : memref<1x80x128xi32, #tpu.memory_space<hbm>> -> memref<80x128xi32, #tpu.memory_space<hbm>>
      %dma_wait3A_25 = arith.constant 0 : i32
      %dma_wait3A_26 = arith.constant 0 : i32
      %dma_wait3A_27 = tpu.memref_slice %arg5[%add3A, %dma_wait3A_25, %dma_wait3A_26] : memref<32x80x128xi32, #tpu.memory_space<hbm>> -> memref<1x80x128xi32, #tpu.memory_space<hbm>>
      %dma_wait3A_28 = tpu.memref_squeeze %dma_wait3A_27 : memref<1x80x128xi32, #tpu.memory_space<hbm>> -> memref<80x128xi32, #tpu.memory_space<hbm>>
      tpu.wait_dma2 semaphore(%run_scoped3A : memref<!tpu.dma_semaphore, #tpu.memory_space<semaphore_mem>>) src(%dma_wait3A_28 : memref<80x128xi32, #tpu.memory_space<hbm>>) dst(%arg9 : memref<80x128xi32, #tpu.memory_space<vmem>>)
      tpu.yield
    }) : () -> ()
    %barrier3A = arith.constant 0 : index
    tpu.barrier barrier_id(%barrier3A)
    %scan3A = arith.constant 0 : i32
    %scan3A_5 = arith.constant 0 : i32
    %scan3A_6 = arith.constant 80 : i32
    %scan3A_7 = arith.addi %scan3A_5, %scan3A_6 : i32
    %scan3A_8 = arith.constant 1 : i32
    scf.for %scan3A_15 = %scan3A_5 to %scan3A_7 step %scan3A_8  : i32 {
      %mul3A_16 = arith.constant 10240 : i32
      %mul3A_17 = arith.muli %add3A, %mul3A_16 : i32
      %mul3A_18 = arith.constant 128 : i32
      %mul3A_19 = arith.muli %scan3A_15, %mul3A_18 : i32
      %add3A_20 = arith.addi %mul3A_17, %mul3A_19 : i32
      %dma_start3A = arith.constant 0 : i32
      %dma_start3A_21 = tpu.memref_slice %arg4[%add3A, %scan3A_15, %dma_start3A] : memref<32x80x128xi32, #tpu.memory_space<hbm>> -> memref<1x1x128xi32, #tpu.memory_space<hbm>>
      %dma_start3A_22 = tpu.memref_squeeze %dma_start3A_21 : memref<1x1x128xi32, #tpu.memory_space<hbm>> -> memref<128xi32, #tpu.memory_space<hbm>>
      %dma_start3A_23 = arith.constant 0 : i32
      %dma_start3A_24 = tpu.memref_slice %arg4[%add3A, %scan3A_15, %dma_start3A_23] : memref<32x80x128xi32, #tpu.memory_space<hbm>> -> memref<1x1x128xi32, #tpu.memory_space<hbm>>
      %dma_start3A_25 = tpu.memref_squeeze %dma_start3A_24 : memref<1x1x128xi32, #tpu.memory_space<hbm>> -> memref<128xi32, #tpu.memory_space<hbm>>
      tpu.enqueue_dma source(%dma_start3A_25 : memref<128xi32, #tpu.memory_space<hbm>>) target(%arg8 : memref<128xi32, #tpu.memory_space<vmem>>) target_semaphore(%arg13 : memref<!tpu.dma_semaphore, #tpu.memory_space<semaphore_mem>>)
      %dma_start3A_26 = arith.constant 0 : i32
      %dma_start3A_27 = arith.constant 0 : i32
      %dma_start3A_28 = tpu.memref_slice %arg3[%dma_start3A_26, %add3A_20, %dma_start3A_27] : memref<3x327680x128xf32, #tpu.memory_space<hbm>> -> memref<1x128x128xf32, #tpu.memory_space<hbm>>
      %dma_start3A_29 = tpu.memref_squeeze %dma_start3A_28 : memref<1x128x128xf32, #tpu.memory_space<hbm>> -> memref<128x128xf32, #tpu.memory_space<hbm>>
      %dma_start3A_30 = arith.constant 0 : i32
      %dma_start3A_31 = tpu.memref_slice %arg3[%dma_start3A_26, %add3A_20, %dma_start3A_30] : memref<3x327680x128xf32, #tpu.memory_space<hbm>> -> memref<1x128x128xf32, #tpu.memory_space<hbm>>
      %dma_start3A_32 = tpu.memref_squeeze %dma_start3A_31 : memref<1x128x128xf32, #tpu.memory_space<hbm>> -> memref<128x128xf32, #tpu.memory_space<hbm>>
      tpu.enqueue_dma source(%dma_start3A_32 : memref<128x128xf32, #tpu.memory_space<hbm>>) target(%arg11 : memref<128x128xf32, #tpu.memory_space<vmem>>) target_semaphore(%arg14 : memref<!tpu.dma_semaphore, #tpu.memory_space<semaphore_mem>>)
      %dma_wait3A = arith.constant 0 : i32
      %dma_wait3A_33 = tpu.memref_slice %arg4[%add3A, %scan3A_15, %dma_wait3A] : memref<32x80x128xi32, #tpu.memory_space<hbm>> -> memref<1x1x128xi32, #tpu.memory_space<hbm>>
      %dma_wait3A_34 = tpu.memref_squeeze %dma_wait3A_33 : memref<1x1x128xi32, #tpu.memory_space<hbm>> -> memref<128xi32, #tpu.memory_space<hbm>>
      %dma_wait3A_35 = arith.constant 0 : i32
      %dma_wait3A_36 = tpu.memref_slice %arg4[%add3A, %scan3A_15, %dma_wait3A_35] : memref<32x80x128xi32, #tpu.memory_space<hbm>> -> memref<1x1x128xi32, #tpu.memory_space<hbm>>
      %dma_wait3A_37 = tpu.memref_squeeze %dma_wait3A_36 : memref<1x1x128xi32, #tpu.memory_space<hbm>> -> memref<128xi32, #tpu.memory_space<hbm>>
      tpu.wait_dma2 semaphore(%arg13 : memref<!tpu.dma_semaphore, #tpu.memory_space<semaphore_mem>>) src(%dma_wait3A_37 : memref<128xi32, #tpu.memory_space<hbm>>) dst(%arg8 : memref<128xi32, #tpu.memory_space<vmem>>)
      %dma_start3A_38 = arith.constant 0 : i32
      %dma_start3A_39 = arith.constant 0 : i32
      %dma_start3A_40 = tpu.memref_slice %arg2[%dma_start3A_38, %dma_start3A_39] : memref<10240x128xf32, #tpu.memory_space<hbm>> -> memref<10240x128xf32, #tpu.memory_space<hbm>>
      tpu.enqueue_indirect_dma source(%dma_start3A_40 : memref<10240x128xf32, #tpu.memory_space<hbm>>) target(%arg10 : memref<128x128xf32, #tpu.memory_space<vmem>>) offsets(%arg8 : memref<128xi32, #tpu.memory_space<vmem>>) semaphore(%arg15 : memref<!tpu.dma_semaphore, #tpu.memory_space<semaphore_mem>>)
      %dma_wait3A_41 = arith.constant 0 : i32
      %dma_wait3A_42 = arith.constant 0 : i32
      %dma_wait3A_43 = tpu.memref_slice %arg3[%dma_wait3A_41, %add3A_20, %dma_wait3A_42] : memref<3x327680x128xf32, #tpu.memory_space<hbm>> -> memref<1x128x128xf32, #tpu.memory_space<hbm>>
      %dma_wait3A_44 = tpu.memref_squeeze %dma_wait3A_43 : memref<1x128x128xf32, #tpu.memory_space<hbm>> -> memref<128x128xf32, #tpu.memory_space<hbm>>
      %dma_wait3A_45 = arith.constant 0 : i32
      %dma_wait3A_46 = tpu.memref_slice %arg3[%dma_wait3A_41, %add3A_20, %dma_wait3A_45] : memref<3x327680x128xf32, #tpu.memory_space<hbm>> -> memref<1x128x128xf32, #tpu.memory_space<hbm>>
      %dma_wait3A_47 = tpu.memref_squeeze %dma_wait3A_46 : memref<1x128x128xf32, #tpu.memory_space<hbm>> -> memref<128x128xf32, #tpu.memory_space<hbm>>
      tpu.wait_dma2 semaphore(%arg14 : memref<!tpu.dma_semaphore, #tpu.memory_space<semaphore_mem>>) src(%dma_wait3A_47 : memref<128x128xf32, #tpu.memory_space<hbm>>) dst(%arg11 : memref<128x128xf32, #tpu.memory_space<vmem>>)
      %dma_wait3A_48 = arith.constant 0 : i32
      %dma_wait3A_49 = arith.constant 0 : i32
      %dma_wait3A_50 = tpu.memref_slice %arg2[%dma_wait3A_48, %dma_wait3A_49] : memref<10240x128xf32, #tpu.memory_space<hbm>> -> memref<10240x128xf32, #tpu.memory_space<hbm>>
      tpu.wait_indirect_dma semaphore(%arg15 : memref<!tpu.dma_semaphore, #tpu.memory_space<semaphore_mem>>) src(%dma_wait3A_50 : memref<10240x128xf32, #tpu.memory_space<hbm>>) dst(%arg10 : memref<128x128xf32, #tpu.memory_space<vmem>>)
      %scan3A_51 = arith.constant 0 : i32
      %scan3A_52 = arith.constant 0 : i32
      %scan3A_53 = arith.constant 128 : i32
      %scan3A_54 = arith.addi %scan3A_52, %scan3A_53 : i32
      %scan3A_55 = arith.constant 1 : i32
      scf.for %scan3A_57 = %scan3A_52 to %scan3A_54 step %scan3A_55  : i32 {
        %get3A = arith.index_cast %scan3A_57 : i32 to index
        %get3A_58 = arith.constant 0 : index
        %get3A_59 = tpu.vector_load %arg10[%get3A, %get3A_58] {strides = array<i32>} : memref<128x128xf32, #tpu.memory_space<vmem>>, vector<16xf32>,
        %get3A_60 = arith.index_cast %scan3A_57 : i32 to index
        %get3A_61 = arith.constant 0 : index
        %get3A_62 = tpu.vector_load %arg11[%get3A_60, %get3A_61] {strides = array<i32>} : memref<128x128xf32, #tpu.memory_space<vmem>>, vector<16xf32>,
        %mul3A_63 = arith.mulf %get3A_59, %get3A_62 : vector<16xf32>
        %swap3A = arith.index_cast %scan3A_57 : i32 to index
        %swap3A_64 = arith.constant 0 : index
        %swap3A_65 = tpu.vector_load %arg10[%swap3A, %swap3A_64] {strides = array<i32>} : memref<128x128xf32, #tpu.memory_space<vmem>>, vector<16xf32>,
        tpu.vector_store %arg10[%swap3A, %swap3A_64], %mul3A_63 {strides = array<i32>} : memref<128x128xf32, #tpu.memory_space<vmem>>, vector<16xf32>,
        %get3A_66 = arith.index_cast %scan3A_57 : i32 to index
        %get3A_67 = arith.constant 16 : index
        %get3A_68 = tpu.vector_load %arg10[%get3A_66, %get3A_67] {strides = array<i32>} : memref<128x128xf32, #tpu.memory_space<vmem>>, vector<16xf32>,
        %get3A_69 = arith.index_cast %scan3A_57 : i32 to index
        %get3A_70 = arith.constant 16 : index
        %get3A_71 = tpu.vector_load %arg11[%get3A_69, %get3A_70] {strides = array<i32>} : memref<128x128xf32, #tpu.memory_space<vmem>>, vector<16xf32>,
        %mul3A_72 = arith.mulf %get3A_68, %get3A_71 : vector<16xf32>
        %swap3A_73 = arith.index_cast %scan3A_57 : i32 to index
        %swap3A_74 = arith.constant 16 : index
        %swap3A_75 = tpu.vector_load %arg10[%swap3A_73, %swap3A_74] {strides = array<i32>} : memref<128x128xf32, #tpu.memory_space<vmem>>, vector<16xf32>,
        tpu.vector_store %arg10[%swap3A_73, %swap3A_74], %mul3A_72 {strides = array<i32>} : memref<128x128xf32, #tpu.memory_space<vmem>>, vector<16xf32>,
        %get3A_76 = arith.index_cast %scan3A_57 : i32 to index
        %get3A_77 = arith.constant 32 : index
        %get3A_78 = tpu.vector_load %arg10[%get3A_76, %get3A_77] {strides = array<i32>} : memref<128x128xf32, #tpu.memory_space<vmem>>, vector<16xf32>,
        %get3A_79 = arith.index_cast %scan3A_57 : i32 to index
        %get3A_80 = arith.constant 32 : index
        %get3A_81 = tpu.vector_load %arg11[%get3A_79, %get3A_80] {strides = array<i32>} : memref<128x128xf32, #tpu.memory_space<vmem>>, vector<16xf32>,
        %mul3A_82 = arith.mulf %get3A_78, %get3A_81 : vector<16xf32>
        %swap3A_83 = arith.index_cast %scan3A_57 : i32 to index
        %swap3A_84 = arith.constant 32 : index
        %swap3A_85 = tpu.vector_load %arg10[%swap3A_83, %swap3A_84] {strides = array<i32>} : memref<128x128xf32, #tpu.memory_space<vmem>>, vector<16xf32>,
        tpu.vector_store %arg10[%swap3A_83, %swap3A_84], %mul3A_82 {strides = array<i32>} : memref<128x128xf32, #tpu.memory_space<vmem>>, vector<16xf32>,
        %get3A_86 = arith.index_cast %scan3A_57 : i32 to index
        %get3A_87 = arith.constant 48 : index
        %get3A_88 = tpu.vector_load %arg10[%get3A_86, %get3A_87] {strides = array<i32>} : memref<128x128xf32, #tpu.memory_space<vmem>>, vector<16xf32>,
        %get3A_89 = arith.index_cast %scan3A_57 : i32 to index
        %get3A_90 = arith.constant 48 : index
        %get3A_91 = tpu.vector_load %arg11[%get3A_89, %get3A_90] {strides = array<i32>} : memref<128x128xf32, #tpu.memory_space<vmem>>, vector<16xf32>,
        %mul3A_92 = arith.mulf %get3A_88, %get3A_91 : vector<16xf32>
        %swap3A_93 = arith.index_cast %scan3A_57 : i32 to index
        %swap3A_94 = arith.constant 48 : index
        %swap3A_95 = tpu.vector_load %arg10[%swap3A_93, %swap3A_94] {strides = array<i32>} : memref<128x128xf32, #tpu.memory_space<vmem>>, vector<16xf32>,
        tpu.vector_store %arg10[%swap3A_93, %swap3A_94], %mul3A_92 {strides = array<i32>} : memref<128x128xf32, #tpu.memory_space<vmem>>, vector<16xf32>,
        %get3A_96 = arith.index_cast %scan3A_57 : i32 to index
        %get3A_97 = arith.constant 64 : index
        %get3A_98 = tpu.vector_load %arg10[%get3A_96, %get3A_97] {strides = array<i32>} : memref<128x128xf32, #tpu.memory_space<vmem>>, vector<16xf32>,
        %get3A_99 = arith.index_cast %scan3A_57 : i32 to index
        %get3A_100 = arith.constant 64 : index
        %get3A_101 = tpu.vector_load %arg11[%get3A_99, %get3A_100] {strides = array<i32>} : memref<128x128xf32, #tpu.memory_space<vmem>>, vector<16xf32>,
        %mul3A_102 = arith.mulf %get3A_98, %get3A_101 : vector<16xf32>
        %swap3A_103 = arith.index_cast %scan3A_57 : i32 to index
        %swap3A_104 = arith.constant 64 : index
        %swap3A_105 = tpu.vector_load %arg10[%swap3A_103, %swap3A_104] {strides = array<i32>} : memref<128x128xf32, #tpu.memory_space<vmem>>, vector<16xf32>,
        tpu.vector_store %arg10[%swap3A_103, %swap3A_104], %mul3A_102 {strides = array<i32>} : memref<128x128xf32, #tpu.memory_space<vmem>>, vector<16xf32>,
        %get3A_106 = arith.index_cast %scan3A_57 : i32 to index
        %get3A_107 = arith.constant 80 : index
        %get3A_108 = tpu.vector_load %arg10[%get3A_106, %get3A_107] {strides = array<i32>} : memref<128x128xf32, #tpu.memory_space<vmem>>, vector<16xf32>,
        %get3A_109 = arith.index_cast %scan3A_57 : i32 to index
        %get3A_110 = arith.constant 80 : index
        %get3A_111 = tpu.vector_load %arg11[%get3A_109, %get3A_110] {strides = array<i32>} : memref<128x128xf32, #tpu.memory_space<vmem>>, vector<16xf32>,
        %mul3A_112 = arith.mulf %get3A_108, %get3A_111 : vector<16xf32>
        %swap3A_113 = arith.index_cast %scan3A_57 : i32 to index
        %swap3A_114 = arith.constant 80 : index
        %swap3A_115 = tpu.vector_load %arg10[%swap3A_113, %swap3A_114] {strides = array<i32>} : memref<128x128xf32, #tpu.memory_space<vmem>>, vector<16xf32>,
        tpu.vector_store %arg10[%swap3A_113, %swap3A_114], %mul3A_112 {strides = array<i32>} : memref<128x128xf32, #tpu.memory_space<vmem>>, vector<16xf32>,
        %get3A_116 = arith.index_cast %scan3A_57 : i32 to index
        %get3A_117 = arith.constant 96 : index
        %get3A_118 = tpu.vector_load %arg10[%get3A_116, %get3A_117] {strides = array<i32>} : memref<128x128xf32, #tpu.memory_space<vmem>>, vector<16xf32>,
        %get3A_119 = arith.index_cast %scan3A_57 : i32 to index
        %get3A_120 = arith.constant 96 : index
        %get3A_121 = tpu.vector_load %arg11[%get3A_119, %get3A_120] {strides = array<i32>} : memref<128x128xf32, #tpu.memory_space<vmem>>, vector<16xf32>,
        %mul3A_122 = arith.mulf %get3A_118, %get3A_121 : vector<16xf32>
        %swap3A_123 = arith.index_cast %scan3A_57 : i32 to index
        %swap3A_124 = arith.constant 96 : index
        %swap3A_125 = tpu.vector_load %arg10[%swap3A_123, %swap3A_124] {strides = array<i32>} : memref<128x128xf32, #tpu.memory_space<vmem>>, vector<16xf32>,
        tpu.vector_store %arg10[%swap3A_123, %swap3A_124], %mul3A_122 {strides = array<i32>} : memref<128x128xf32, #tpu.memory_space<vmem>>, vector<16xf32>,
        %get3A_126 = arith.index_cast %scan3A_57 : i32 to index
        %get3A_127 = arith.constant 112 : index
        %get3A_128 = tpu.vector_load %arg10[%get3A_126, %get3A_127] {strides = array<i32>} : memref<128x128xf32, #tpu.memory_space<vmem>>, vector<16xf32>,
        %get3A_129 = arith.index_cast %scan3A_57 : i32 to index
        %get3A_130 = arith.constant 112 : index
        %get3A_131 = tpu.vector_load %arg11[%get3A_129, %get3A_130] {strides = array<i32>} : memref<128x128xf32, #tpu.memory_space<vmem>>, vector<16xf32>,
        %mul3A_132 = arith.mulf %get3A_128, %get3A_131 : vector<16xf32>
        %swap3A_133 = arith.index_cast %scan3A_57 : i32 to index
        %swap3A_134 = arith.constant 112 : index
        %swap3A_135 = tpu.vector_load %arg10[%swap3A_133, %swap3A_134] {strides = array<i32>} : memref<128x128xf32, #tpu.memory_space<vmem>>, vector<16xf32>,
        tpu.vector_store %arg10[%swap3A_133, %swap3A_134], %mul3A_132 {strides = array<i32>} : memref<128x128xf32, #tpu.memory_space<vmem>>, vector<16xf32>,
      }
      %scan3A_56 = arith.constant 128 : i32
      "tpu.region"() ({
        %run_scoped3A = tpu.sem_alloc : memref<!tpu.dma_semaphore, #tpu.memory_space<semaphore_mem>>
        %dma_start3A_57 = arith.constant 0 : i32
        %dma_start3A_58 = tpu.memref_slice %arg9[%scan3A_15, %dma_start3A_57] : memref<80x128xi32, #tpu.memory_space<vmem>> -> memref<1x128xi32, #tpu.memory_space<vmem>>
        %dma_start3A_59 = tpu.memref_squeeze %dma_start3A_58 : memref<1x128xi32, #tpu.memory_space<vmem>> -> memref<128xi32, #tpu.memory_space<vmem>>
        %dma_start3A_60 = arith.constant 0 : i32
        %dma_start3A_61 = arith.constant 0 : i32
        %dma_start3A_62 = tpu.memref_slice %arg12[%dma_start3A_60, %dma_start3A_61] : memref<10240x128xf32, #tpu.memory_space<vmem_shared>> -> memref<10240x128xf32, #tpu.memory_space<vmem_shared>>
        tpu.enqueue_indirect_dma source(%arg10 : memref<128x128xf32, #tpu.memory_space<vmem>>) target(%dma_start3A_62 : memref<10240x128xf32, #tpu.memory_space<vmem_shared>>) offsets(%dma_start3A_59 : memref<128xi32, #tpu.memory_space<vmem>>) semaphore(%run_scoped3A : memref<!tpu.dma_semaphore, #tpu.memory_space<semaphore_mem>>) {add = true}
        %dma_wait3A_63 = arith.constant 0 : i32
        %dma_wait3A_64 = tpu.memref_slice %arg9[%scan3A_15, %dma_wait3A_63] : memref<80x128xi32, #tpu.memory_space<vmem>> -> memref<1x128xi32, #tpu.memory_space<vmem>>
        %dma_wait3A_65 = tpu.memref_squeeze %dma_wait3A_64 : memref<1x128xi32, #tpu.memory_space<vmem>> -> memref<128xi32, #tpu.memory_space<vmem>>
        %dma_wait3A_66 = arith.constant 0 : i32
        %dma_wait3A_67 = arith.constant 0 : i32
        %dma_wait3A_68 = tpu.memref_slice %arg12[%dma_wait3A_66, %dma_wait3A_67] : memref<10240x128xf32, #tpu.memory_space<vmem_shared>> -> memref<10240x128xf32, #tpu.memory_space<vmem_shared>>
        tpu.wait_indirect_dma semaphore(%run_scoped3A : memref<!tpu.dma_semaphore, #tpu.memory_space<semaphore_mem>>) src(%arg10 : memref<128x128xf32, #tpu.memory_space<vmem>>) dst(%dma_wait3A_68 : memref<10240x128xf32, #tpu.memory_space<vmem_shared>>)
        tpu.yield
      }) : () -> ()
    }
    %scan3A_9 = arith.constant 80 : i32
    %barrier3A_10 = arith.constant 0 : index
    tpu.barrier barrier_id(%barrier3A_10)
    %mul3A_11 = arith.constant 640 : i32
    %mul3A_12 = arith.muli %arg1, %mul3A_11 : i32
    %mul3A_13 = arith.constant 640 : i32
    %mul3A_14 = arith.muli %arg1, %mul3A_13 : i32
    "tpu.region"() ({
      %run_scoped3A = tpu.sem_alloc : memref<!tpu.dma_semaphore, #tpu.memory_space<semaphore_mem>>
      %dma_start3A = arith.constant 0 : i32
      %dma_start3A_15 = tpu.memref_slice %arg7[%arg0, %mul3A_14, %dma_start3A] : memref<2x10240x128xf32, #tpu.memory_space<hbm>> -> memref<1x640x128xf32, #tpu.memory_space<hbm>>
      %dma_start3A_16 = tpu.memref_squeeze %dma_start3A_15 : memref<1x640x128xf32, #tpu.memory_space<hbm>> -> memref<640x128xf32, #tpu.memory_space<hbm>>
      %dma_start3A_17 = arith.constant 0 : i32
      %dma_start3A_18 = tpu.memref_slice %arg12[%mul3A_12, %dma_start3A_17] : memref<10240x128xf32, #tpu.memory_space<vmem_shared>> -> memref<640x128xf32, #tpu.memory_space<vmem_shared>>
      tpu.enqueue_dma source(%dma_start3A_18 : memref<640x128xf32, #tpu.memory_space<vmem_shared>>) target(%dma_start3A_16 : memref<640x128xf32, #tpu.memory_space<hbm>>) target_semaphore(%run_scoped3A : memref<!tpu.dma_semaphore, #tpu.memory_space<semaphore_mem>>)
      %dma_wait3A = arith.constant 0 : i32
      %dma_wait3A_19 = tpu.memref_slice %arg7[%arg0, %mul3A_14, %dma_wait3A] : memref<2x10240x128xf32, #tpu.memory_space<hbm>> -> memref<1x640x128xf32, #tpu.memory_space<hbm>>
      %dma_wait3A_20 = tpu.memref_squeeze %dma_wait3A_19 : memref<1x640x128xf32, #tpu.memory_space<hbm>> -> memref<640x128xf32, #tpu.memory_space<hbm>>
      %dma_wait3A_21 = arith.constant 0 : i32
      %dma_wait3A_22 = tpu.memref_slice %arg12[%mul3A_12, %dma_wait3A_21] : memref<10240x128xf32, #tpu.memory_space<vmem_shared>> -> memref<640x128xf32, #tpu.memory_space<vmem_shared>>
      tpu.wait_dma2 semaphore(%run_scoped3A : memref<!tpu.dma_semaphore, #tpu.memory_space<semaphore_mem>>) src(%dma_wait3A_22 : memref<640x128xf32, #tpu.memory_space<vmem_shared>>) dst(%dma_wait3A_20 : memref<640x128xf32, #tpu.memory_space<hbm>>)
      tpu.yield
    }) : () -> ()
    return
  }
}

module attributes {stable_mosaic.version = 14 : i64} {
  func.func @_emb_body(%arg0: memref<10240x1xi32, #tpu.memory_space<vmem>>, %arg1: memref<128x128xf32, #tpu.memory_space<vmem>>, %arg2: memref<128x128xf32, #tpu.memory_space<vmem>>, %arg3: memref<10240x128xf32, #tpu.memory_space<vmem>>, %arg4: memref<10240x128xf32, #tpu.memory_space<vmem>>) attributes {dimension_semantics = [], scalar_prefetch = 0 : i64, scratch_operands = 0 : i64, tpu.core_type = #tpu.core_type<tc>} {
    %get3A = arith.constant 0 : index
    %get3A_0 = arith.constant 0 : index
    %get3A_1 = vector.load %arg0[%get3A, %get3A_0] : memref<10240x1xi32, #tpu.memory_space<vmem>>, vector<10240x1xi32>
    %iota3A = tpu.iota {dimensions = array<i32: 1>} : vector<10240x128xi32>
    %eq3A = vector.broadcast %get3A_1 : vector<10240x1xi32> to vector<10240x128xi32>
    %eq3A_2 = arith.cmpi eq, %eq3A, %iota3A : vector<10240x128xi32>
    %convert_element_type3A = arith.extui %eq3A_2 : vector<10240x128xi1> to vector<10240x128xi32>
    %convert_element_type3A_3 = arith.sitofp %convert_element_type3A : vector<10240x128xi32> to vector<10240x128xf32>
    %get3A_4 = arith.constant 0 : index
    %get3A_5 = arith.constant 0 : index
    %get3A_6 = vector.load %arg1[%get3A_4, %get3A_5] : memref<128x128xf32, #tpu.memory_space<vmem>>, vector<128x128xf32>
    %dot_general3A = arith.constant dense<0.000000e+00> : vector<10240x128xf32>
    %dot_general3A_7 = tpu.matmul %convert_element_type3A_3, %get3A_6, %dot_general3A {dimension_numbers = #tpu.dot_dimension_numbers<[1], [0], [0], [1], [0, 0, 1, 1], [], []>, transpose_lhs_hint = false} : vector<10240x128xf32>, vector<128x128xf32>, vector<10240x128xf32> -> vector<10240x128xf32>
    %swap3A = arith.constant 0 : index
    %swap3A_8 = arith.constant 0 : index
    %swap3A_9 = vector.load %arg3[%swap3A, %swap3A_8] : memref<10240x128xf32, #tpu.memory_space<vmem>>, vector<10240x128xf32>
    tpu.vector_store %arg3[%swap3A, %swap3A_8], %dot_general3A_7 {strides = array<i32>} : memref<10240x128xf32, #tpu.memory_space<vmem>>, vector<10240x128xf32>,
    %get3A_10 = arith.constant 0 : index
    %get3A_11 = arith.constant 0 : index
    %get3A_12 = vector.load %arg2[%get3A_10, %get3A_11] : memref<128x128xf32, #tpu.memory_space<vmem>>, vector<128x128xf32>
    %dot_general3A_13 = arith.constant dense<0.000000e+00> : vector<10240x128xf32>
    %dot_general3A_14 = tpu.matmul %dot_general3A_7, %get3A_12, %dot_general3A_13 {dimension_numbers = #tpu.dot_dimension_numbers<[1], [0], [0], [1], [0, 0, 1, 1], [], []>, transpose_lhs_hint = false} : vector<10240x128xf32>, vector<128x128xf32>, vector<10240x128xf32> -> vector<10240x128xf32>
    %swap3A_15 = arith.constant 0 : index
    %swap3A_16 = arith.constant 0 : index
    %swap3A_17 = vector.load %arg4[%swap3A_15, %swap3A_16] : memref<10240x128xf32, #tpu.memory_space<vmem>>, vector<10240x128xf32>
    tpu.vector_store %arg4[%swap3A_15, %swap3A_16], %dot_general3A_14 {strides = array<i32>} : memref<10240x128xf32, #tpu.memory_space<vmem>>, vector<10240x128xf32>,
    return
  }
}

module attributes {stable_mosaic.version = 14 : i64} {
  func.func @_wf_body(%arg0: i32, %arg1: memref<4096x1xf32, #tpu.memory_space<vmem>>, %arg2: memref<8x64xf32, #tpu.memory_space<vmem>>, %arg3: memref<3x64x128xf32, #tpu.memory_space<vmem>>, %arg4: memref<3x1x128xf32, #tpu.memory_space<vmem>>, %arg5: memref<3x128x128xf32, #tpu.memory_space<vmem>>, %arg6: memref<3x1x128xf32, #tpu.memory_space<vmem>>, %arg7: memref<3x4096x128xf32, #tpu.memory_space<vmem>>) attributes {dimension_semantics = [#tpu.dimension_semantics<arbitrary>], iteration_bounds = array<i64: 80>, scalar_prefetch = 0 : i64, scratch_operands = 0 : i64, tpu.core_type = #tpu.core_type<tc>, window_params = [{transform_indices = @transform_0, window_bounds = array<i64: 4096, 1>}, {pipeline_mode = #tpu.pipeline_mode<synchronous>, transform_indices = @transform_1, window_bounds = array<i64: 8, 64>}, {pipeline_mode = #tpu.pipeline_mode<synchronous>, transform_indices = @transform_2, window_bounds = array<i64: 3, 64, 128>}, {pipeline_mode = #tpu.pipeline_mode<synchronous>, transform_indices = @transform_3, window_bounds = array<i64: 3, 1, 128>}, {pipeline_mode = #tpu.pipeline_mode<synchronous>, transform_indices = @transform_4, window_bounds = array<i64: 3, 128, 128>}, {pipeline_mode = #tpu.pipeline_mode<synchronous>, transform_indices = @transform_5, window_bounds = array<i64: 3, 1, 128>}, {transform_indices = @transform_6, window_bounds = array<i64: 3, 4096, 128>}]} {
    %get3A = arith.constant 0 : index
    %get3A_0 = arith.constant 0 : index
    %get3A_1 = vector.load %arg1[%get3A, %get3A_0] : memref<4096x1xf32, #tpu.memory_space<vmem>>, vector<4096x1xf32>
    %add3A = arith.constant 9.99999996E-13 : f32
    %add3A_2 = vector.broadcast %add3A : f32 to vector<4096x1xf32>
    %add3A_3 = arith.addf %get3A_1, %add3A_2 : vector<4096x1xf32>
    %sqrt3A = math.sqrt %add3A_3 : vector<4096x1xf32>
    %get3A_4 = arith.constant 0 : index
    %get3A_5 = arith.constant 1 : index
    %get3A_6 = vector.load %arg2[%get3A_4, %get3A_5] : memref<8x64xf32, #tpu.memory_space<vmem>>, vector<1x1xf32>
    %get3A_7 = vector.extract %get3A_6[0, 0] : f32 from vector<1x1xf32>
    %get3A_8 = arith.constant 0 : index
    %get3A_9 = arith.constant 0 : index
    %get3A_10 = vector.load %arg2[%get3A_8, %get3A_9] : memref<8x64xf32, #tpu.memory_space<vmem>>, vector<1x1xf32>
    %get3A_11 = vector.extract %get3A_10[0, 0] : f32 from vector<1x1xf32>
    %sub3A = arith.subf %get3A_7, %get3A_11 : f32
    %mul3A = arith.mulf %sub3A, %sub3A : f32
    %div3A = arith.constant -5.000000e-01 : f32
    %div3A_12 = arith.divf %div3A, %mul3A : f32
    %get3A_13 = arith.constant 0 : index
    %get3A_14 = arith.constant 0 : index
    %get3A_15 = vector.load %arg2[%get3A_13, %get3A_14] : memref<8x64xf32, #tpu.memory_space<vmem>>, vector<1x64xf32>
    %sub3A_16 = vector.broadcast %sqrt3A : vector<4096x1xf32> to vector<4096x64xf32>
    %sub3A_17 = vector.broadcast %get3A_15 : vector<1x64xf32> to vector<4096x64xf32>
    %sub3A_18 = arith.subf %sub3A_16, %sub3A_17 : vector<4096x64xf32>
    %integer_pow3A = arith.mulf %sub3A_18, %sub3A_18 : vector<4096x64xf32>
    %mul3A_19 = vector.broadcast %div3A_12 : f32 to vector<4096x64xf32>
    %mul3A_20 = arith.mulf %mul3A_19, %integer_pow3A : vector<4096x64xf32>
    %exp3A = math.exp %mul3A_20 : vector<4096x64xf32>
    %mul3A_21 = arith.constant 4096 : i32
    %mul3A_22 = arith.muli %arg0, %mul3A_21 : i32
    %iota3A = tpu.iota {dimensions = array<i32: 0>} : vector<4096x1xi32>
    %add3A_23 = vector.broadcast %mul3A_22 : i32 to vector<4096x1xi32>
    %add3A_24 = arith.addi %add3A_23, %iota3A : vector<4096x1xi32>
    %lt3A = arith.constant 320000 : i32
    %lt3A_25 = vector.broadcast %lt3A : i32 to vector<4096x1xi32>
    %lt3A_26 = arith.cmpi slt, %add3A_24, %lt3A_25 : vector<4096x1xi32>
    %convert_element_type3A = arith.extui %lt3A_26 : vector<4096x1xi1> to vector<4096x1xi32>
    %convert_element_type3A_27 = arith.sitofp %convert_element_type3A : vector<4096x1xi32> to vector<4096x1xf32>
    %mul3A_28 = arith.constant 0.628318548 : f32
    %mul3A_29 = vector.broadcast %mul3A_28 : f32 to vector<4096x1xf32>
    %mul3A_30 = arith.mulf %sqrt3A, %mul3A_29 : vector<4096x1xf32>
    %cos3A = math.cos %mul3A_30 : vector<4096x1xf32>
    %add3A_31 = arith.constant 1.000000e+00 : f32
    %add3A_32 = vector.broadcast %add3A_31 : f32 to vector<4096x1xf32>
    %add3A_33 = arith.addf %cos3A, %add3A_32 : vector<4096x1xf32>
    %mul3A_34 = arith.constant 5.000000e-01 : f32
    %mul3A_35 = vector.broadcast %mul3A_34 : f32 to vector<4096x1xf32>
    %mul3A_36 = arith.mulf %mul3A_35, %add3A_33 : vector<4096x1xf32>
    %lt3A_37 = arith.constant 5.000000e+00 : f32
    %lt3A_38 = vector.broadcast %lt3A_37 : f32 to vector<4096x1xf32>
    %lt3A_39 = arith.cmpf olt, %sqrt3A, %lt3A_38 : vector<4096x1xf32>
    %convert_element_type3A_40 = arith.extui %lt3A_39 : vector<4096x1xi1> to vector<4096x1xi32>
    %convert_element_type3A_41 = arith.sitofp %convert_element_type3A_40 : vector<4096x1xi32> to vector<4096x1xf32>
    %mul3A_42 = arith.mulf %mul3A_36, %convert_element_type3A_41 : vector<4096x1xf32>
    %mul3A_43 = arith.mulf %mul3A_42, %convert_element_type3A_27 : vector<4096x1xf32>
    %get3A_44 = arith.constant 0 : index
    %get3A_45 = arith.constant 0 : index
    %get3A_46 = arith.constant 0 : index
    %get3A_47 = vector.load %arg3[%get3A_44, %get3A_45, %get3A_46] : memref<3x64x128xf32, #tpu.memory_space<vmem>>, vector<1x64x128xf32>
    %get3A_48 = vector.shape_cast %get3A_47 : vector<1x64x128xf32> to vector<64x128xf32>
    %dot_general3A = arith.constant dense<0.000000e+00> : vector<4096x128xf32>
    %dot_general3A_49 = tpu.matmul %exp3A, %get3A_48, %dot_general3A {dimension_numbers = #tpu.dot_dimension_numbers<[1], [0], [0], [1], [0, 0, 1, 1], [], []>, transpose_lhs_hint = false} : vector<4096x64xf32>, vector<64x128xf32>, vector<4096x128xf32> -> vector<4096x128xf32>
    %get3A_50 = arith.constant 0 : index
    %get3A_51 = arith.constant 0 : index
    %get3A_52 = arith.constant 0 : index
    %get3A_53 = vector.load %arg4[%get3A_50, %get3A_51, %get3A_52] : memref<3x1x128xf32, #tpu.memory_space<vmem>>, vector<1x1x128xf32>
    %get3A_54 = vector.shape_cast %get3A_53 : vector<1x1x128xf32> to vector<1x128xf32>
    %add3A_55 = vector.broadcast %get3A_54 : vector<1x128xf32> to vector<4096x128xf32>
    %add3A_56 = arith.addf %dot_general3A_49, %add3A_55 : vector<4096x128xf32>
    %tanh3A = math.tanh %add3A_56 : vector<4096x128xf32>
    %get3A_57 = arith.constant 0 : index
    %get3A_58 = arith.constant 0 : index
    %get3A_59 = arith.constant 0 : index
    %get3A_60 = vector.load %arg5[%get3A_57, %get3A_58, %get3A_59] : memref<3x128x128xf32, #tpu.memory_space<vmem>>, vector<1x128x128xf32>
    %get3A_61 = vector.shape_cast %get3A_60 : vector<1x128x128xf32> to vector<128x128xf32>
    %dot_general3A_62 = arith.constant dense<0.000000e+00> : vector<4096x128xf32>
    %dot_general3A_63 = tpu.matmul %tanh3A, %get3A_61, %dot_general3A_62 {dimension_numbers = #tpu.dot_dimension_numbers<[1], [0], [0], [1], [0, 0, 1, 1], [], []>, transpose_lhs_hint = false} : vector<4096x128xf32>, vector<128x128xf32>, vector<4096x128xf32> -> vector<4096x128xf32>
    %get3A_64 = arith.constant 0 : index
    %get3A_65 = arith.constant 0 : index
    %get3A_66 = arith.constant 0 : index
    %get3A_67 = vector.load %arg6[%get3A_64, %get3A_65, %get3A_66] : memref<3x1x128xf32, #tpu.memory_space<vmem>>, vector<1x1x128xf32>
    %get3A_68 = vector.shape_cast %get3A_67 : vector<1x1x128xf32> to vector<1x128xf32>
    %add3A_69 = vector.broadcast %get3A_68 : vector<1x128xf32> to vector<4096x128xf32>
    %add3A_70 = arith.addf %dot_general3A_63, %add3A_69 : vector<4096x128xf32>
    %mul3A_71 = vector.broadcast %mul3A_43 : vector<4096x1xf32> to vector<4096x128xf32>
    %mul3A_72 = arith.mulf %add3A_70, %mul3A_71 : vector<4096x128xf32>
    %swap3A = arith.constant 0 : index
    %swap3A_73 = arith.constant 0 : index
    %swap3A_74 = arith.constant 0 : index
    %swap3A_75 = vector.load %arg7[%swap3A, %swap3A_73, %swap3A_74] : memref<3x4096x128xf32, #tpu.memory_space<vmem>>, vector<1x4096x128xf32>
    %swap3A_76 = vector.shape_cast %swap3A_75 : vector<1x4096x128xf32> to vector<4096x128xf32>
    %swap3A_77 = vector.shape_cast %mul3A_72 : vector<4096x128xf32> to vector<1x4096x128xf32>
    tpu.vector_store %arg7[%swap3A, %swap3A_73, %swap3A_74], %swap3A_77 {strides = array<i32>} : memref<3x4096x128xf32, #tpu.memory_space<vmem>>, vector<1x4096x128xf32>,
    %get3A_78 = arith.constant 1 : index
    %get3A_79 = arith.constant 0 : index
    %get3A_80 = arith.constant 0 : index
    %get3A_81 = vector.load %arg3[%get3A_78, %get3A_79, %get3A_80] : memref<3x64x128xf32, #tpu.memory_space<vmem>>, vector<1x64x128xf32>
    %get3A_82 = vector.shape_cast %get3A_81 : vector<1x64x128xf32> to vector<64x128xf32>
    %dot_general3A_83 = arith.constant dense<0.000000e+00> : vector<4096x128xf32>
    %dot_general3A_84 = tpu.matmul %exp3A, %get3A_82, %dot_general3A_83 {dimension_numbers = #tpu.dot_dimension_numbers<[1], [0], [0], [1], [0, 0, 1, 1], [], []>, transpose_lhs_hint = false} : vector<4096x64xf32>, vector<64x128xf32>, vector<4096x128xf32> -> vector<4096x128xf32>
    %get3A_85 = arith.constant 1 : index
    %get3A_86 = arith.constant 0 : index
    %get3A_87 = arith.constant 0 : index
    %get3A_88 = vector.load %arg4[%get3A_85, %get3A_86, %get3A_87] : memref<3x1x128xf32, #tpu.memory_space<vmem>>, vector<1x1x128xf32>
    %get3A_89 = vector.shape_cast %get3A_88 : vector<1x1x128xf32> to vector<1x128xf32>
    %add3A_90 = vector.broadcast %get3A_89 : vector<1x128xf32> to vector<4096x128xf32>
    %add3A_91 = arith.addf %dot_general3A_84, %add3A_90 : vector<4096x128xf32>
    %tanh3A_92 = math.tanh %add3A_91 : vector<4096x128xf32>
    %get3A_93 = arith.constant 1 : index
    %get3A_94 = arith.constant 0 : index
    %get3A_95 = arith.constant 0 : index
    %get3A_96 = vector.load %arg5[%get3A_93, %get3A_94, %get3A_95] : memref<3x128x128xf32, #tpu.memory_space<vmem>>, vector<1x128x128xf32>
    %get3A_97 = vector.shape_cast %get3A_96 : vector<1x128x128xf32> to vector<128x128xf32>
    %dot_general3A_98 = arith.constant dense<0.000000e+00> : vector<4096x128xf32>
    %dot_general3A_99 = tpu.matmul %tanh3A_92, %get3A_97, %dot_general3A_98 {dimension_numbers = #tpu.dot_dimension_numbers<[1], [0], [0], [1], [0, 0, 1, 1], [], []>, transpose_lhs_hint = false} : vector<4096x128xf32>, vector<128x128xf32>, vector<4096x128xf32> -> vector<4096x128xf32>
    %get3A_100 = arith.constant 1 : index
    %get3A_101 = arith.constant 0 : index
    %get3A_102 = arith.constant 0 : index
    %get3A_103 = vector.load %arg6[%get3A_100, %get3A_101, %get3A_102] : memref<3x1x128xf32, #tpu.memory_space<vmem>>, vector<1x1x128xf32>
    %get3A_104 = vector.shape_cast %get3A_103 : vector<1x1x128xf32> to vector<1x128xf32>
    %add3A_105 = vector.broadcast %get3A_104 : vector<1x128xf32> to vector<4096x128xf32>
    %add3A_106 = arith.addf %dot_general3A_99, %add3A_105 : vector<4096x128xf32>
    %mul3A_107 = vector.broadcast %mul3A_43 : vector<4096x1xf32> to vector<4096x128xf32>
    %mul3A_108 = arith.mulf %add3A_106, %mul3A_107 : vector<4096x128xf32>
    %swap3A_109 = arith.constant 1 : index
    %swap3A_110 = arith.constant 0 : index
    %swap3A_111 = arith.constant 0 : index
    %swap3A_112 = vector.load %arg7[%swap3A_109, %swap3A_110, %swap3A_111] : memref<3x4096x128xf32, #tpu.memory_space<vmem>>, vector<1x4096x128xf32>
    %swap3A_113 = vector.shape_cast %swap3A_112 : vector<1x4096x128xf32> to vector<4096x128xf32>
    %swap3A_114 = vector.shape_cast %mul3A_108 : vector<4096x128xf32> to vector<1x4096x128xf32>
    tpu.vector_store %arg7[%swap3A_109, %swap3A_110, %swap3A_111], %swap3A_114 {strides = array<i32>} : memref<3x4096x128xf32, #tpu.memory_space<vmem>>, vector<1x4096x128xf32>,
    %get3A_115 = arith.constant 2 : index
    %get3A_116 = arith.constant 0 : index
    %get3A_117 = arith.constant 0 : index
    %get3A_118 = vector.load %arg3[%get3A_115, %get3A_116, %get3A_117] : memref<3x64x128xf32, #tpu.memory_space<vmem>>, vector<1x64x128xf32>
    %get3A_119 = vector.shape_cast %get3A_118 : vector<1x64x128xf32> to vector<64x128xf32>
    %dot_general3A_120 = arith.constant dense<0.000000e+00> : vector<4096x128xf32>
    %dot_general3A_121 = tpu.matmul %exp3A, %get3A_119, %dot_general3A_120 {dimension_numbers = #tpu.dot_dimension_numbers<[1], [0], [0], [1], [0, 0, 1, 1], [], []>, transpose_lhs_hint = false} : vector<4096x64xf32>, vector<64x128xf32>, vector<4096x128xf32> -> vector<4096x128xf32>
    %get3A_122 = arith.constant 2 : index
    %get3A_123 = arith.constant 0 : index
    %get3A_124 = arith.constant 0 : index
    %get3A_125 = vector.load %arg4[%get3A_122, %get3A_123, %get3A_124] : memref<3x1x128xf32, #tpu.memory_space<vmem>>, vector<1x1x128xf32>
    %get3A_126 = vector.shape_cast %get3A_125 : vector<1x1x128xf32> to vector<1x128xf32>
    %add3A_127 = vector.broadcast %get3A_126 : vector<1x128xf32> to vector<4096x128xf32>
    %add3A_128 = arith.addf %dot_general3A_121, %add3A_127 : vector<4096x128xf32>
    %tanh3A_129 = math.tanh %add3A_128 : vector<4096x128xf32>
    %get3A_130 = arith.constant 2 : index
    %get3A_131 = arith.constant 0 : index
    %get3A_132 = arith.constant 0 : index
    %get3A_133 = vector.load %arg5[%get3A_130, %get3A_131, %get3A_132] : memref<3x128x128xf32, #tpu.memory_space<vmem>>, vector<1x128x128xf32>
    %get3A_134 = vector.shape_cast %get3A_133 : vector<1x128x128xf32> to vector<128x128xf32>
    %dot_general3A_135 = arith.constant dense<0.000000e+00> : vector<4096x128xf32>
    %dot_general3A_136 = tpu.matmul %tanh3A_129, %get3A_134, %dot_general3A_135 {dimension_numbers = #tpu.dot_dimension_numbers<[1], [0], [0], [1], [0, 0, 1, 1], [], []>, transpose_lhs_hint = false} : vector<4096x128xf32>, vector<128x128xf32>, vector<4096x128xf32> -> vector<4096x128xf32>
    %get3A_137 = arith.constant 2 : index
    %get3A_138 = arith.constant 0 : index
    %get3A_139 = arith.constant 0 : index
    %get3A_140 = vector.load %arg6[%get3A_137, %get3A_138, %get3A_139] : memref<3x1x128xf32, #tpu.memory_space<vmem>>, vector<1x1x128xf32>
    %get3A_141 = vector.shape_cast %get3A_140 : vector<1x1x128xf32> to vector<1x128xf32>
    %add3A_142 = vector.broadcast %get3A_141 : vector<1x128xf32> to vector<4096x128xf32>
    %add3A_143 = arith.addf %dot_general3A_136, %add3A_142 : vector<4096x128xf32>
    %mul3A_144 = vector.broadcast %mul3A_43 : vector<4096x1xf32> to vector<4096x128xf32>
    %mul3A_145 = arith.mulf %add3A_143, %mul3A_144 : vector<4096x128xf32>
    %swap3A_146 = arith.constant 2 : index
    %swap3A_147 = arith.constant 0 : index
    %swap3A_148 = arith.constant 0 : index
    %swap3A_149 = vector.load %arg7[%swap3A_146, %swap3A_147, %swap3A_148] : memref<3x4096x128xf32, #tpu.memory_space<vmem>>, vector<1x4096x128xf32>
    %swap3A_150 = vector.shape_cast %swap3A_149 : vector<1x4096x128xf32> to vector<4096x128xf32>
    %swap3A_151 = vector.shape_cast %mul3A_145 : vector<4096x128xf32> to vector<1x4096x128xf32>
    tpu.vector_store %arg7[%swap3A_146, %swap3A_147, %swap3A_148], %swap3A_151 {strides = array<i32>} : memref<3x4096x128xf32, #tpu.memory_space<vmem>>, vector<1x4096x128xf32>,
    return
  }
  func.func @transform_0(%arg0: i32) -> (i32, i32) {
    %c0_i32 = arith.constant 0 : i32
    %c0_i32_0 = arith.constant 0 : i32
    return %arg0, %c0_i32 : i32, i32
  }
  func.func @transform_1(%arg0: i32) -> (i32, i32) {
    %c0_i32 = arith.constant 0 : i32
    %c0_i32_0 = arith.constant 0 : i32
    %c0_i32_1 = arith.constant 0 : i32
    return %c0_i32, %c0_i32_0 : i32, i32
  }
  func.func @transform_2(%arg0: i32) -> (i32, i32, i32) {
    %c0_i32 = arith.constant 0 : i32
    %c0_i32_0 = arith.constant 0 : i32
    %c0_i32_1 = arith.constant 0 : i32
    %c0_i32_2 = arith.constant 0 : i32
    return %c0_i32, %c0_i32_0, %c0_i32_1 : i32, i32, i32
  }
  func.func @transform_3(%arg0: i32) -> (i32, i32, i32) {
    %c0_i32 = arith.constant 0 : i32
    %c0_i32_0 = arith.constant 0 : i32
    %c0_i32_1 = arith.constant 0 : i32
    %c0_i32_2 = arith.constant 0 : i32
    return %c0_i32, %c0_i32_0, %c0_i32_1 : i32, i32, i32
  }
  func.func @transform_4(%arg0: i32) -> (i32, i32, i32) {
    %c0_i32 = arith.constant 0 : i32
    %c0_i32_0 = arith.constant 0 : i32
    %c0_i32_1 = arith.constant 0 : i32
    %c0_i32_2 = arith.constant 0 : i32
    return %c0_i32, %c0_i32_0, %c0_i32_1 : i32, i32, i32
  }
  func.func @transform_5(%arg0: i32) -> (i32, i32, i32) {
    %c0_i32 = arith.constant 0 : i32
    %c0_i32_0 = arith.constant 0 : i32
    %c0_i32_1 = arith.constant 0 : i32
    %c0_i32_2 = arith.constant 0 : i32
    return %c0_i32, %c0_i32_0, %c0_i32_1 : i32, i32, i32
  }
  func.func @transform_6(%arg0: i32) -> (i32, i32, i32) {
    %c0_i32 = arith.constant 0 : i32
    %c0_i32_0 = arith.constant 0 : i32
    %c0_i32_1 = arith.constant 0 : i32
    return %c0_i32, %arg0, %c0_i32_0 : i32, i32, i32
  }
}

module attributes {stable_mosaic.version = 14 : i64} {
  func.func @_upd_body(%arg0: memref<10240x128xf32, #tpu.memory_space<vmem>>, %arg1: memref<2x10240x128xf32, #tpu.memory_space<vmem>>, %arg2: memref<128x128xf32, #tpu.memory_space<vmem>>, %arg3: memref<1x128xf32, #tpu.memory_space<vmem>>, %arg4: memref<128x128xf32, #tpu.memory_space<vmem>>, %arg5: memref<1x128xf32, #tpu.memory_space<vmem>>, %arg6: memref<128x128xf32, #tpu.memory_space<vmem>>, %arg7: memref<10240x128xf32, #tpu.memory_space<vmem>>, %arg8: memref<10240x128xf32, #tpu.memory_space<vmem>>) attributes {dimension_semantics = [], scalar_prefetch = 0 : i64, scratch_operands = 0 : i64, tpu.core_type = #tpu.core_type<tc>} {
    %get3A = arith.constant 0 : index
    %get3A_0 = arith.constant 0 : index
    %get3A_1 = arith.constant 0 : index
    %get3A_2 = vector.load %arg1[%get3A, %get3A_0, %get3A_1] : memref<2x10240x128xf32, #tpu.memory_space<vmem>>, vector<1x10240x128xf32>
    %get3A_3 = vector.shape_cast %get3A_2 : vector<1x10240x128xf32> to vector<10240x128xf32>
    %get3A_4 = arith.constant 1 : index
    %get3A_5 = arith.constant 0 : index
    %get3A_6 = arith.constant 0 : index
    %get3A_7 = vector.load %arg1[%get3A_4, %get3A_5, %get3A_6] : memref<2x10240x128xf32, #tpu.memory_space<vmem>>, vector<1x10240x128xf32>
    %get3A_8 = vector.shape_cast %get3A_7 : vector<1x10240x128xf32> to vector<10240x128xf32>
    %add3A = arith.addf %get3A_3, %get3A_8 : vector<10240x128xf32>
    %get3A_9 = arith.constant 0 : index
    %get3A_10 = arith.constant 0 : index
    %get3A_11 = vector.load %arg2[%get3A_9, %get3A_10] : memref<128x128xf32, #tpu.memory_space<vmem>>, vector<128x128xf32>
    %dot_general3A = arith.constant dense<0.000000e+00> : vector<10240x128xf32>
    %dot_general3A_12 = tpu.matmul %add3A, %get3A_11, %dot_general3A {dimension_numbers = #tpu.dot_dimension_numbers<[1], [0], [0], [1], [0, 0, 1, 1], [], []>, transpose_lhs_hint = false} : vector<10240x128xf32>, vector<128x128xf32>, vector<10240x128xf32> -> vector<10240x128xf32>
    %get3A_13 = arith.constant 0 : index
    %get3A_14 = arith.constant 0 : index
    %get3A_15 = vector.load %arg3[%get3A_13, %get3A_14] : memref<1x128xf32, #tpu.memory_space<vmem>>, vector<1x128xf32>
    %add3A_16 = vector.broadcast %get3A_15 : vector<1x128xf32> to vector<10240x128xf32>
    %add3A_17 = arith.addf %dot_general3A_12, %add3A_16 : vector<10240x128xf32>
    %tanh3A = math.tanh %add3A_17 : vector<10240x128xf32>
    %get3A_18 = arith.constant 0 : index
    %get3A_19 = arith.constant 0 : index
    %get3A_20 = vector.load %arg0[%get3A_18, %get3A_19] : memref<10240x128xf32, #tpu.memory_space<vmem>>, vector<10240x128xf32>
    %get3A_21 = arith.constant 0 : index
    %get3A_22 = arith.constant 0 : index
    %get3A_23 = vector.load %arg4[%get3A_21, %get3A_22] : memref<128x128xf32, #tpu.memory_space<vmem>>, vector<128x128xf32>
    %dot_general3A_24 = arith.constant dense<0.000000e+00> : vector<10240x128xf32>
    %dot_general3A_25 = tpu.matmul %tanh3A, %get3A_23, %dot_general3A_24 {dimension_numbers = #tpu.dot_dimension_numbers<[1], [0], [0], [1], [0, 0, 1, 1], [], []>, transpose_lhs_hint = false} : vector<10240x128xf32>, vector<128x128xf32>, vector<10240x128xf32> -> vector<10240x128xf32>
    %add3A_26 = arith.addf %get3A_20, %dot_general3A_25 : vector<10240x128xf32>
    %get3A_27 = arith.constant 0 : index
    %get3A_28 = arith.constant 0 : index
    %get3A_29 = vector.load %arg5[%get3A_27, %get3A_28] : memref<1x128xf32, #tpu.memory_space<vmem>>, vector<1x128xf32>
    %add3A_30 = vector.broadcast %get3A_29 : vector<1x128xf32> to vector<10240x128xf32>
    %add3A_31 = arith.addf %add3A_26, %add3A_30 : vector<10240x128xf32>
    %swap3A = arith.constant 0 : index
    %swap3A_32 = arith.constant 0 : index
    %swap3A_33 = vector.load %arg7[%swap3A, %swap3A_32] : memref<10240x128xf32, #tpu.memory_space<vmem>>, vector<10240x128xf32>
    tpu.vector_store %arg7[%swap3A, %swap3A_32], %add3A_31 {strides = array<i32>} : memref<10240x128xf32, #tpu.memory_space<vmem>>, vector<10240x128xf32>,
    %get3A_34 = arith.constant 0 : index
    %get3A_35 = arith.constant 0 : index
    %get3A_36 = vector.load %arg6[%get3A_34, %get3A_35] : memref<128x128xf32, #tpu.memory_space<vmem>>, vector<128x128xf32>
    %dot_general3A_37 = arith.constant dense<0.000000e+00> : vector<10240x128xf32>
    %dot_general3A_38 = tpu.matmul %add3A_31, %get3A_36, %dot_general3A_37 {dimension_numbers = #tpu.dot_dimension_numbers<[1], [0], [0], [1], [0, 0, 1, 1], [], []>, transpose_lhs_hint = false} : vector<10240x128xf32>, vector<128x128xf32>, vector<10240x128xf32> -> vector<10240x128xf32>
    %swap3A_39 = arith.constant 0 : index
    %swap3A_40 = arith.constant 0 : index
    %swap3A_41 = vector.load %arg8[%swap3A_39, %swap3A_40] : memref<10240x128xf32, #tpu.memory_space<vmem>>, vector<10240x128xf32>
    tpu.vector_store %arg8[%swap3A_39, %swap3A_40], %dot_general3A_38 {strides = array<i32>} : memref<10240x128xf32, #tpu.memory_space<vmem>>, vector<10240x128xf32>,
    return
  }
}

module attributes {stable_mosaic.version = 14 : i64} {
  func.func @_fin_body(%arg0: memref<10240x128xf32, #tpu.memory_space<vmem>>, %arg1: memref<2x10240x128xf32, #tpu.memory_space<vmem>>, %arg2: memref<128x128xf32, #tpu.memory_space<vmem>>, %arg3: memref<1x128xf32, #tpu.memory_space<vmem>>, %arg4: memref<128x128xf32, #tpu.memory_space<vmem>>, %arg5: memref<1x128xf32, #tpu.memory_space<vmem>>, %arg6: memref<128x64xf32, #tpu.memory_space<vmem>>, %arg7: memref<1x64xf32, #tpu.memory_space<vmem>>, %arg8: memref<1x64xf32, #tpu.memory_space<vmem>>, %arg9: memref<1x1xf32, #tpu.memory_space<vmem>>, %arg10: memref<10240x1xi32, #tpu.memory_space<vmem>>, %arg11: memref<8x32xf32, #tpu.memory_space<vmem>>) attributes {dimension_semantics = [], scalar_prefetch = 0 : i64, scratch_operands = 0 : i64, tpu.core_type = #tpu.core_type<tc>} {
    %get3A = arith.constant 0 : index
    %get3A_0 = arith.constant 0 : index
    %get3A_1 = arith.constant 0 : index
    %get3A_2 = vector.load %arg1[%get3A, %get3A_0, %get3A_1] : memref<2x10240x128xf32, #tpu.memory_space<vmem>>, vector<1x10240x128xf32>
    %get3A_3 = vector.shape_cast %get3A_2 : vector<1x10240x128xf32> to vector<10240x128xf32>
    %get3A_4 = arith.constant 1 : index
    %get3A_5 = arith.constant 0 : index
    %get3A_6 = arith.constant 0 : index
    %get3A_7 = vector.load %arg1[%get3A_4, %get3A_5, %get3A_6] : memref<2x10240x128xf32, #tpu.memory_space<vmem>>, vector<1x10240x128xf32>
    %get3A_8 = vector.shape_cast %get3A_7 : vector<1x10240x128xf32> to vector<10240x128xf32>
    %add3A = arith.addf %get3A_3, %get3A_8 : vector<10240x128xf32>
    %get3A_9 = arith.constant 0 : index
    %get3A_10 = arith.constant 0 : index
    %get3A_11 = vector.load %arg2[%get3A_9, %get3A_10] : memref<128x128xf32, #tpu.memory_space<vmem>>, vector<128x128xf32>
    %dot_general3A = arith.constant dense<0.000000e+00> : vector<10240x128xf32>
    %dot_general3A_12 = tpu.matmul %add3A, %get3A_11, %dot_general3A {dimension_numbers = #tpu.dot_dimension_numbers<[1], [0], [0], [1], [0, 0, 1, 1], [], []>, transpose_lhs_hint = false} : vector<10240x128xf32>, vector<128x128xf32>, vector<10240x128xf32> -> vector<10240x128xf32>
    %get3A_13 = arith.constant 0 : index
    %get3A_14 = arith.constant 0 : index
    %get3A_15 = vector.load %arg3[%get3A_13, %get3A_14] : memref<1x128xf32, #tpu.memory_space<vmem>>, vector<1x128xf32>
    %add3A_16 = vector.broadcast %get3A_15 : vector<1x128xf32> to vector<10240x128xf32>
    %add3A_17 = arith.addf %dot_general3A_12, %add3A_16 : vector<10240x128xf32>
    %tanh3A = math.tanh %add3A_17 : vector<10240x128xf32>
    %get3A_18 = arith.constant 0 : index
    %get3A_19 = arith.constant 0 : index
    %get3A_20 = vector.load %arg0[%get3A_18, %get3A_19] : memref<10240x128xf32, #tpu.memory_space<vmem>>, vector<10240x128xf32>
    %get3A_21 = arith.constant 0 : index
    %get3A_22 = arith.constant 0 : index
    %get3A_23 = vector.load %arg4[%get3A_21, %get3A_22] : memref<128x128xf32, #tpu.memory_space<vmem>>, vector<128x128xf32>
    %dot_general3A_24 = arith.constant dense<0.000000e+00> : vector<10240x128xf32>
    %dot_general3A_25 = tpu.matmul %tanh3A, %get3A_23, %dot_general3A_24 {dimension_numbers = #tpu.dot_dimension_numbers<[1], [0], [0], [1], [0, 0, 1, 1], [], []>, transpose_lhs_hint = false} : vector<10240x128xf32>, vector<128x128xf32>, vector<10240x128xf32> -> vector<10240x128xf32>
    %add3A_26 = arith.addf %get3A_20, %dot_general3A_25 : vector<10240x128xf32>
    %get3A_27 = arith.constant 0 : index
    %get3A_28 = arith.constant 0 : index
    %get3A_29 = vector.load %arg5[%get3A_27, %get3A_28] : memref<1x128xf32, #tpu.memory_space<vmem>>, vector<1x128xf32>
    %add3A_30 = vector.broadcast %get3A_29 : vector<1x128xf32> to vector<10240x128xf32>
    %add3A_31 = arith.addf %add3A_26, %add3A_30 : vector<10240x128xf32>
    %get3A_32 = arith.constant 0 : index
    %get3A_33 = arith.constant 0 : index
    %get3A_34 = vector.load %arg6[%get3A_32, %get3A_33] : memref<128x64xf32, #tpu.memory_space<vmem>>, vector<128x64xf32>
    %dot_general3A_35 = arith.constant dense<0.000000e+00> : vector<10240x64xf32>
    %dot_general3A_36 = tpu.matmul %add3A_31, %get3A_34, %dot_general3A_35 {dimension_numbers = #tpu.dot_dimension_numbers<[1], [0], [0], [1], [0, 0, 1, 1], [], []>, transpose_lhs_hint = false} : vector<10240x128xf32>, vector<128x64xf32>, vector<10240x64xf32> -> vector<10240x64xf32>
    %get3A_37 = arith.constant 0 : index
    %get3A_38 = arith.constant 0 : index
    %get3A_39 = vector.load %arg7[%get3A_37, %get3A_38] : memref<1x64xf32, #tpu.memory_space<vmem>>, vector<1x64xf32>
    %add3A_40 = vector.broadcast %get3A_39 : vector<1x64xf32> to vector<10240x64xf32>
    %add3A_41 = arith.addf %dot_general3A_36, %add3A_40 : vector<10240x64xf32>
    %tanh3A_42 = math.tanh %add3A_41 : vector<10240x64xf32>
    %get3A_43 = arith.constant 0 : index
    %get3A_44 = arith.constant 0 : index
    %get3A_45 = vector.load %arg8[%get3A_43, %get3A_44] : memref<1x64xf32, #tpu.memory_space<vmem>>, vector<1x64xf32>
    %mul3A = vector.broadcast %get3A_45 : vector<1x64xf32> to vector<10240x64xf32>
    %mul3A_46 = arith.mulf %tanh3A_42, %mul3A : vector<10240x64xf32>
    %reduce_sum3A = arith.constant dense<0.000000e+00> : vector<10240xf32>
    %reduce_sum3A_47 = vector.multi_reduction <add>, %mul3A_46, %reduce_sum3A [1] : vector<10240x64xf32> to vector<10240xf32>
    %broadcast_in_dim3A = vector.shape_cast %reduce_sum3A_47 : vector<10240xf32> to vector<10240x1xf32>
    %get3A_48 = arith.constant 0 : index
    %get3A_49 = arith.constant 0 : index
    %get3A_50 = vector.load %arg9[%get3A_48, %get3A_49] : memref<1x1xf32, #tpu.memory_space<vmem>>, vector<1x1xf32>
    %get3A_51 = vector.extract %get3A_50[0, 0] : f32 from vector<1x1xf32>
    %add3A_52 = vector.broadcast %get3A_51 : f32 to vector<10240x1xf32>
    %add3A_53 = arith.addf %broadcast_in_dim3A, %add3A_52 : vector<10240x1xf32>
    %get3A_54 = arith.constant 0 : index
    %get3A_55 = arith.constant 0 : index
    %get3A_56 = vector.load %arg10[%get3A_54, %get3A_55] : memref<10240x1xi32, #tpu.memory_space<vmem>>, vector<10240x1xi32>
    %iota3A = tpu.iota {dimensions = array<i32: 1>} : vector<10240x32xi32>
    %eq3A = vector.broadcast %get3A_56 : vector<10240x1xi32> to vector<10240x32xi32>
    %eq3A_57 = arith.cmpi eq, %eq3A, %iota3A : vector<10240x32xi32>
    %convert_element_type3A = arith.extui %eq3A_57 : vector<10240x32xi1> to vector<10240x32xi32>
    %convert_element_type3A_58 = arith.sitofp %convert_element_type3A : vector<10240x32xi32> to vector<10240x32xf32>
    %mul3A_59 = vector.broadcast %add3A_53 : vector<10240x1xf32> to vector<10240x32xf32>
    %mul3A_60 = arith.mulf %mul3A_59, %convert_element_type3A_58 : vector<10240x32xf32>
    %reduce_sum3A_61 = arith.constant dense<0.000000e+00> : vector<32xf32>
    %reduce_sum3A_62 = vector.multi_reduction <add>, %mul3A_60, %reduce_sum3A_61 [0] : vector<10240x32xf32> to vector<32xf32>
    %broadcast_in_dim3A_63 = vector.shape_cast %reduce_sum3A_62 : vector<32xf32> to vector<1x32xf32>
    %broadcast_in_dim3A_64 = vector.shape_cast %broadcast_in_dim3A_63 : vector<1x32xf32> to vector<1x32xf32>
    %broadcast_in_dim3A_65 = vector.broadcast %broadcast_in_dim3A_64 : vector<1x32xf32> to vector<8x32xf32>
    %swap3A = arith.constant 0 : index
    %swap3A_66 = arith.constant 0 : index
    %swap3A_67 = vector.load %arg11[%swap3A, %swap3A_66] : memref<8x32xf32, #tpu.memory_space<vmem>>, vector<8x32xf32>
    tpu.vector_store %arg11[%swap3A, %swap3A_66], %broadcast_in_dim3A_65 {strides = array<i32>} : memref<8x32xf32, #tpu.memory_space<vmem>>, vector<8x32xf32>,
    return
  }
}

</mosaic_0001>

<sc_bundles>
// kernel: kernel.11.cloned.1.call-start
scs
__scs_entry_jumppad:
0x0: {  	(pc) =	sbr.rel $0x88, $3  }
0x1: {  	(tag) =	ssettag $0x0;
	lr =	simm.s32 $0x1  }
0x2: {  	[smem:$0x3F8E] =	sst lr;
	_ =	strace $0xD0000000  }
0x3: {  	_ = 	snop  }
0x4: {  	_ = 	snop  }
0x5: {  	_ = 	snop  }
0x6: {  	_ = 	snop  }
0x7: {  	_ = 	snop  }
__scs_overlays_trampoline_lowered:
0x8: {  	[smem:$0x3F9D] =	sst s0  }
0x9: {  	[smem:$0x3F9E] =	sst s1  }
0xa: {  	[smem:$0x3F9F] =	sst s2  }
0xb: {  	[smem:$0x3FA0] =	sst s3  }
0xc: {  	[smem:$0x3FA1] =	sst s4  }
0xd: {  	[smem:$0x3FA2] =	sst s5  }
0xe: {  	[smem:$0x3FA3] =	sst s6  }
0xf: {  	[smem:$0x3FA4] =	sst s7  }
0x10: {  	[smem:$0x3FA5] =	sst s8  }
0x11: {  	[smem:$0x3FA6] =	sst s9;
	s0 =	simm.s32 @!p0 $0x0  }
0x12: {  	s1 =	sld [smem:$0x3F8C];
	s0 =	simm.s32 @p0 $0x1  }
0x13: {  	[smem:$0x3FA7] =	sst s0;
	s0 =	simm.s32 @!p1 $0x0  }
0x14: {  	s2 =	sld [smem:$0x3F8B];
	s0 =	simm.s32 @p1 $0x1  }
0x15: {  	[smem:$0x3FA8] =	sst s0;
	s0 =	simm.s32 @!p2 $0x0  }
0x16: {  	s3 =	sld [smem:$0x3FDB];
	s0 =	simm.s32 @p2 $0x1  }
0x17: {  	s4 =	simm.s32 $0x1BF5;
	[smem:$0x3FAA] =	sst s0  }
0x18: {  	s0 =	sld [smem:$0x3F8D];
	_ =	swait.ge [sflag:s4], $0x0  }
0x19: {  	s7 =	sld [smem:$0x3F8E]  }
0x1a: {  	s8 =	sadd.s32 $0xFFFFE003, lr  }
0x1b: {  	s9 =	sadd.s32 $0xFFFFFEF7, lr;
	s5 =	simm.s32 $0xFFFFFFFF;
	p2 =	slt.u32 s8, $0xFFFFF086  }
0x1c: {  	p1 =	slt.u32 s9, $0xF7A;
	s5 =	simm.s32 @!p2 $0x0  }
0x1d: {  	s5 =	simm.s32 @p1 $0x1;
	p0 =	seq.s32 s7, s2  }
0x1e: {  	s7 =	smul.u32 @!p0 $0xF7A, s2;
	p2 =	seq.s32 @!p0 s5, $0x0  }
0x1f: {  	s9 =	smul.u32 $0xF7A, s1;
	s8 =	simm.s32 @!p0 $0x1BF5;
	p2 =	por !p2, p0  }
0x20: {  	[sflag:s8] =	ssyncset.s32 @!p0 $0xFFFFF086;
	s6 =	sadd.s32 @!p0 s3, s7;
	s7 =	simm.s32 @!p0 $0x108  }
0x21: {  	s3 =	sadd.s32 s3, s9;
	s6 =	sadd.s32 @!p0 $0x88, s6;
	s7 =	simm.s32 @p2 $0x1082  }
0x22: {  	[simem:s7], [sflag:s8] =	dma.local @!p0 [hbm:s6], $0xF7A  }
0x23: {  	s9 =	sor.u32 $0xD0000000, s2;
	s6 =	simm.s32 $0x108;
	_ =	swait.ge @!p0 [sflag:s8], $0x0  }
0x24: {  	s3 =	sadd.s32 $0x88, s3;
	s6 =	simm.s32 @!p1 $0x1082;
	[sflag:s4] =	ssyncset.s32 $0xFFFFF086  }
0x25: {  	[simem:s6], [sflag:s4] =	dma.local [hbm:s3], $0xF7A  }
0x26: {  	[smem:$0x3F8E] =	sst s1;
	(tag) =	ssettag s2;
	_ =	strace s9  }
0x27: {  	s1 =	sld [smem:$0x3F9E]  }
0x28: {  	s2 =	sld [smem:$0x3F9F]  }
0x29: {  	s4 =	sld [smem:$0x3FA1]  }
0x2a: {  	p0 =	seq.s32 s5, $0x0;
	s5 =	sld [smem:$0x3FA2]  }
0x2b: {  	s6 =	sld [smem:$0x3FA3]  }
0x2c: {  	s7 =	sld [smem:$0x3FA4]  }
0x2d: {  	s3 =	simm.s32 $0x108;
	s8 =	sld [smem:$0x3FA5]  }
0x2e: {  	s3 =	simm.s32 @!p0 $0x1082;
	s9 =	sld [smem:$0x3FA6]  }
0x2f: {  	lr =	sadd.s32 s0, s3;
	s0 =	sld [smem:$0x3F9D]  }
0x30: {  	s3 =	sld [smem:$0x3FA0]  }
0x31: {  	[smem:$0x3FA9] =	sst s10  }
0x32: {  	s10 =	sld [smem:$0x3FA7];
	_ =	sdelay $0x3  }
0x33: {  	p0 =	seq.s32 s10, $0x1;
	s10 =	sld [smem:$0x3FA9];
	_ =	sdelay $0x3  }
0x34: {  	[smem:$0x3FA9] =	sst s10  }
0x35: {  	s10 =	sld [smem:$0x3FA8];
	_ =	sdelay $0x3  }
0x36: {  	p1 =	seq.s32 s10, $0x1;
	s10 =	sld [smem:$0x3FA9];
	_ =	sdelay $0x3  }
0x37: {  	[smem:$0x3FA9] =	sst s10  }
0x38: {  	s10 =	sld [smem:$0x3FAA]  }
0x39: {  	_ = 	snop;
	(pc) =	sbr.ind lr, $3  }
0x3a: {  	_ = 	snop  }
0x3b: {  	_ = 	snop  }
0x3c: {  	p2 =	seq.s32 s10, $0x1;
	s10 =	sld [smem:$0x3FA9]  }
0x3d: {  	_ =	shalt  }
0x3e: {  	_ =	shalt  }
0x3f: {  	_ =	shalt  }
0x40: {  	_ =	shalt  }
0x41: {  	_ =	shalt  }
0x42: {  	_ =	shalt  }
0x43: {  	_ =	shalt  }
0x44: {  	_ =	shalt  }
0x45: {  	_ =	shalt  }
0x46: {  	_ =	shalt  }
0x47: {  	_ =	shalt  }
0x48: {  	_ =	shalt  }
0x49: {  	_ =	shalt  }
0x4a: {  	_ =	shalt  }
0x4b: {  	_ =	shalt  }
0x4c: {  	_ =	shalt  }
0x4d: {  	_ =	shalt  }
0x4e: {  	_ =	shalt  }
0x4f: {  	_ =	shalt  }
0x50: {  	_ =	shalt  }
0x51: {  	_ =	shalt  }
0x52: {  	_ =	shalt  }
0x53: {  	_ =	shalt  }
0x54: {  	_ =	shalt  }
0x55: {  	_ =	shalt  }
0x56: {  	_ =	shalt  }
0x57: {  	_ =	shalt  }
0x58: {  	_ =	shalt  }
0x59: {  	_ =	shalt  }
0x5a: {  	_ =	shalt  }
0x5b: {  	_ =	shalt  }
0x5c: {  	_ =	shalt  }
0x5d: {  	_ =	shalt  }
0x5e: {  	_ =	shalt  }
0x5f: {  	_ =	shalt  }
0x60: {  	_ =	shalt  }
0x61: {  	_ =	shalt  }
0x62: {  	_ =	shalt  }
0x63: {  	_ =	shalt  }
0x64: {  	_ =	shalt  }
0x65: {  	_ =	shalt  }
0x66: {  	_ =	shalt  }
0x67: {  	_ =	shalt  }
0x68: {  	_ =	shalt  }
0x69: {  	_ =	shalt  }
0x6a: {  	_ =	shalt  }
0x6b: {  	_ =	shalt  }
0x6c: {  	_ =	shalt  }
0x6d: {  	_ =	shalt  }
0x6e: {  	_ =	shalt  }
0x6f: {  	_ =	shalt  }
0x70: {  	_ =	shalt  }
0x71: {  	_ =	shalt  }
0x72: {  	_ =	shalt  }
0x73: {  	_ =	shalt  }
0x74: {  	_ =	shalt  }
0x75: {  	_ =	shalt  }
0x76: {  	_ =	shalt  }
0x77: {  	_ =	shalt  }
0x78: {  	_ =	shalt  }
0x79: {  	_ =	shalt  }
0x7a: {  	_ =	shalt  }
0x7b: {  	_ =	shalt  }
0x7c: {  	_ =	shalt  }
0x7d: {  	_ =	shalt  }
0x7e: {  	_ =	shalt  }
0x7f: {  	_ =	shalt  }
0x80: {  	_ =	shalt  }
0x81: {  	_ =	shalt  }
0x82: {  	_ =	shalt  }
0x83: {  	_ =	shalt  }
0x84: {  	_ =	shalt  }
0x85: {  	_ =	shalt  }
0x86: {  	_ =	shalt  }
0x87: {  	_ =	shalt  }
.Lfunc_end0:
.L_simem_size_0:
called_computation_lowered:
.L_overlay_start_0:
0x88: {  	s2 =	sld [smem:$0x3FD9]  }
0x89: {  	s3 =	sld [smem:$0x3FFE];
	_ =	sdelay $0x1  }
0x8a: {  	s1 =	srdreg.scid  }
0x8b: {  	s0 =	sand.u32 $0x1, s1  }
0x8c: {  	s16 =	sshll.u32 s0, $0xA;
	s2 =	sadd.s32 s3, s2  }
0x8d: {  	s2 =	sadd.s32 s2, s16  }
0x8e: {  	[smem:$0x3FB5] =	sst s2  }
0x8f: {  	_ = 	snop  }
0x90: {  	(tm) =	ssettm $0x1  }
0x91: {  	s17 =	sld [smem:$0x3FFB];
	_ =	sdelay $0x3  }
0x92: {  	_ =	strace s17  }
0x93: {  	s2 =	sld [smem:$0x3FFC];
	_ =	sdelay $0x3  }
0x94: {  	_ =	strace s2  }
0x95: {  	s2 =	sld [smem:$0x3FFD];
	_ =	sdelay $0x3  }
0x96: {  	_ =	strace s2  }
0x97: {  	_ =	strace $0x8FFFFFFF  }
0x98: {  	s18 =	sld [smem:$0x3FDB];
	_ =	sdelay $0x1  }
0x99: {  	s19 =	simm.s32 $_scs_section_size  }
0x9a: {  	s4 =	simm.s32 $_size__tile_overlayer_lowered;
	s5 =	simm.s32 $_tile_overlayer_lowered  }
0x9b: {  	s22 =	simm.s32 $0x1BFF;
	s21 =	sshll.u32 s5, $0x1;
	s2 =	sadd.s32 s19, s18  }
0x9c: {  	s6 =	simm.s32 $0x0;
	s20 =	sshll.u32 s4, $0x1;
	s4 =	sadd.s32 s21, s2  }
0x9d: {  	[timem:s6], [sflag:s22] =	dma.local [hbm:s4], s20  }
0x9e: {  	_ =	swait.ge [sflag:s22], s20  }
0x9f: {  	s3 =	ssub.s32 $0x0, s20;
	[sflag:s22] =	ssyncset.done $0x0  }
0xa0: {  	[sflag:s22] =	ssyncadd.s32 s3;
	_ =	sdelay $0x1  }
0xa1: {  	s23 =	simm.s32 $0x1B8B  }
0xa2: {  	_ =	swait.ge [sflag:s23], $0x1  }
0xa3: {  	[sflag:s23] =	ssyncset.done $0x0  }
0xa4: {  	s25 =	simm.s32 $0x1B8E;
	s24 =	sld [smem:$0x3FFE];
	[sflag:s23] =	ssyncadd.s32 $0xFFFFFFFF  }
0xa5: {  	s26 =	simm.s32 $execute0_lowered;
	[smem:$0x3FD2] =	sst s25  }
0xa6: {  	s4 =	sshll.u32 s26, $0x1;
	_ =	strace $0x80000046;
	[dreg:$0x1] =	wrdreg $0xFFFFFFFF  }
0xa7: {  	s28 =	simm.s32 $_size_execute0_lowered;
	s2 =	sadd.s32 s2, s4;
	[dreg:$0x0] =	wrdreg $0x0  }
0xa8: {  	s4 =	sshll.u32 s28, $0x1;
	[dreg:$0x2] =	wrdreg s2  }
0xa9: {  	[dreg:$0x3] =	wrdreg s4  }
0xaa: {  	[dreg:$0x4] =	wrdreg $0xC0  }
0xab: {  	_ =	task [dreg:s6], $0x5FFFF  }
0xac: {  	[dreg:$0x1] =	wrdreg $0xFFFFFFFF  }
0xad: {  	[dreg:$0x0] =	wrdreg $0x60  }
0xae: {  	[dreg:$0x2] =	wrdreg s24  }
0xaf: {  	[dreg:$0x3] =	wrdreg $0x9  }
0xb0: {  	_ =	task.clear_ibuf [dreg:s6], $0x4FFFF;
	_ =	strace $0x90000046  }
0xb1: {  	s29 =	simm.s32 $0x9;
	_ =	strace $0x80000048  }
0xb2: {  	_ =	swait.ge [sflag:s29], $0x1  }
0xb3: {  	[sflag:s29] =	ssyncadd.s32 $0xFFFFFFFF  }
0xb4: {  	_ =	strace $0x90000048  }
0xb5: {  	_ =	sfence  }
0xb6: {  	s30 =	sld [smem:$0x0];
	_ =	sdelay $0x2  }
0xb7: {  	s31 =	sshll.u32 s1, $0xD;
	s1 =	sshrl.u32 s1, $0x2  }
0xb8: {  	s3 =	sand.u32 $0x4000, s31;
	s1 =	sadd.s32 s1, s30  }
0xb9: {  	s0 =	sor.u32 s3, s0;
	s1 =	sshll.u32 s1, $0x11  }
0xba: {  	s0 =	sor.u32 s1, s0  }
0xbb: {  	s0 =	sadd.s32 $0x8F2B, s0  }
0xbc: {  	[sflag:s0] =	ssyncadd.remote.s32 $0x1  }
0xbd: {  	_ =	sfence.sel $0xFFFF  }
0xbe: {  	[dreg:$0x0] =	wrdreg $0xFFFFFFFF;
	(pc) =	sbr.abs _section_cstart, $3  }
0xbf: {  	[dreg:$0x1] =	wrdreg $0xFFFFFFFF  }
0xc0: {  	_ =	task.clear_ibuf [dreg:s6], $0x2FFFF;
	_ =	strace $0x9FFFFFFF  }
0xc1: {  	(tm) =	ssettm $0x7FFFFFFF  }
tec
execute0_lowered:
.L_overlay_start_1:
0x0: {  	(tag) =	ssettag $0x1  }
0x1: {  	s6 =	rddreg [dreg:$0x0]  }
0x2: {  	s0 =	rddreg [dreg:$0x1]  }
0x3: {  	s3 =	srdreg.scid;
	s1 =	stileid.u32;
	s2 =	simm.s32 $0x0  }
0x4: {  	s11 =	simm.s32 $0x2780;
	s12 =	simm.s32 $0x4F00;
	s13 =	simm.s32 $0x7680  }
0x5: {  	s14 =	simm.s32 $0x9E80;
	s5 =	sand.u32 $0x1, s3;
	s30 =	sshll.u32 s1, $0x1  }
0x6: {  	s15 =	simm.s32 $0xC680;
	s16 =	simm.s32 $0x0;
	s3 =	sor.u32 s5, s30  }
0x7: {  	[smem:$0x7FF] =	sst s2;
	s4 =	sadd.s32 $0x19200, s6;
	s7 =	smul.u32 $0x500, s3  }
0x8: {  	_ =	strace $0x80000047;
	s8 =	ssub.s32 $0x2, s5;
	s5 =	sadd.s32 $0x18C00, s6  }
0x9: {  	s3 =	sadd.s32 $0x19800, s6;
	s31 =	sshrl.u32 s8, $0x1;
	s9 =	sadd.s32 s7, s6  }
0xa: {  	s10 =	ssub.s32 s8, s31;
	s6 =	sadd.s32 $0x4C00, s9;
	s7 =	sadd.s32 $0xEC00, s9  }
0xb: {  	s8 =	sadd.s32 $0x19E00, s9;
	s9 =	smax.u32 s10, $0x1;
	s10 =	simm.s32 $0x1  }
.LBB2_1:
0xc: {  	[tilespmem:s2], [sflag:$0x1] =	stream.linear.gather [hbm4b:s3+s2], $0x2780, $0x38;
	[tilespmem:$0xEE80] =	vst v63  }
0xd: {  	_ =	swait.ge [sflag:s10], $0x2780  }
0xe: {  	[sflag:s10] =	ssyncset.done $0x0  }
0xf: {  	[sflag:s10] =	ssyncadd.s32 $0xFFFFD880  }
0x10: {  	[tilespmem:s11], [sflag:$0x1] =	stream.linear.gather [hbm4b:s4+s2], $0x2780, $0x38;
	[tilespmem:$0xEE80] =	vst v63  }
0x11: {  	_ =	swait.ge [sflag:s10], $0x2780  }
0x12: {  	[sflag:s10] =	ssyncset.done $0x0  }
0x13: {  	[sflag:s10] =	ssyncadd.s32 $0xFFFFD880  }
0x14: {  	[tilespmem:s12], [sflag:$0x1] =	stream.linear.gather [hbm4b:s5+s2], $0x2780, $0x38;
	[tilespmem:$0xEE80] =	vst v63  }
0x15: {  	_ =	swait.ge [sflag:s10], $0x2780  }
0x16: {  	[sflag:s10] =	ssyncset.done $0x0  }
0x17: {  	[sflag:s10] =	ssyncadd.s32 $0xFFFFD880  }
0x18: {  	[tilespmem:s13], [sflag:$0x1] =	stream.linear.gather [hbm4b:s6+s2], $0x2800, $0x38;
	[tilespmem:$0xEE80] =	vst v63  }
0x19: {  	_ =	swait.ge [sflag:s10], $0x2800  }
0x1a: {  	[sflag:s10] =	ssyncset.done $0x0  }
0x1b: {  	[sflag:s10] =	ssyncadd.s32 $0xFFFFD800  }
0x1c: {  	[tilespmem:s14], [sflag:$0x1] =	stream.linear.gather [hbm4b:s7+s2], $0x2800, $0x38;
	[tilespmem:$0xEE80] =	vst v63  }
0x1d: {  	_ =	swait.ge [sflag:s10], $0x2800  }
0x1e: {  	[sflag:s10] =	ssyncset.done $0x0  }
0x1f: {  	s17 =	simm.s32 $0x0;
	[sflag:s10] =	ssyncadd.s32 $0xFFFFD800  }
0x20: {  	v0 =	vld [tilespmem:s17+$0x7680]  }
0x21: {  	v1 =	vld [tilespmem:s17+$0x9E80];
	_ =	sdelay $0x6  }
0x22: {  	v2 =	vld.idx.msk [tilespmem:v0+s2+$0x0], $0xffff  }
0x23: {  	v3 =	vld.idx.msk [tilespmem:v1+s2+$0x0], $0xffff  }
0x24: {  	v4 =	vld.idx.msk [tilespmem:v1+s11+$0x0], $0xffff  }
0x25: {  	v5 =	vld.idx.msk [tilespmem:v0+s11+$0x0], $0xffff  }
0x26: {  	v6 =	vld.idx.msk [tilespmem:v1+s12+$0x0], $0xffff  }
0x27: {  	v7 =	vld.idx.msk [tilespmem:v0+s12+$0x0], $0xffff;
	_ =	sdelay $0x2  }
0x28: {  	s18 =	simm.s32 $0x10;
	v3 =	vsub.f32 v3, v2;
	v4 =	vsub.f32 v4, v5  }
0x29: {  	v0 =	vld [tilespmem:s18+$0x7680]  }
0x2a: {  	v1 =	vld [tilespmem:s18+$0x9E80];
	v2 =	vsub.f32 v6, v7;
	v3 =	vmul.f32 v3, v3;
	v4 =	vmul.f32 v4, v4  }
0x2b: {  	s19 =	simm.s32 $0x80  }
.LBB2_2:
0x2c: {  	p0 =	sne.s32 s19, $0x9FC0;
	v3 =	vadd.f32 v4, v3;
	v2 =	vmul.f32 v2, v2;
	_ =	sdelay $0x1  }
0x2d: {  	v2 =	vadd.f32 v2, v3;
	_ =	sdelay $0x1  }
0x2e: {  	[tilespmem:s17+$0xC680] =	vst v2;
	s17 =	smov.u32 s18  }
0x2f: {  	v2 =	vld.idx.msk [tilespmem:v0+s2+$0x0], $0xffff  }
0x30: {  	v3 =	vld.idx.msk [tilespmem:v1+s2+$0x0], $0xffff  }
0x31: {  	v4 =	vld.idx.msk [tilespmem:v1+s11+$0x0], $0xffff  }
0x32: {  	v5 =	vld.idx.msk [tilespmem:v0+s11+$0x0], $0xffff  }
0x33: {  	v6 =	vld.idx.msk [tilespmem:v1+s12+$0x0], $0xffff  }
0x34: {  	v7 =	vld.idx.msk [tilespmem:v0+s12+$0x0], $0xffff;
	_ =	sdelay $0x2  }
.Ltmp0:
0x35: {  	(pc) =	sbr.rel @p0 .LBB2_2-.Ltmp0, $4  }
0x36: {  	s18 =	sshra.s32 s19, $0x2;
	v3 =	vsub.f32 v3, v2;
	v4 =	vsub.f32 v4, v5  }
0x37: {  	v0 =	vld [tilespmem:s18+$0x7680]  }
0x38: {  	v3 =	vmul.f32 v3, v3;
	v2 =	vsub.f32 v6, v7;
	v4 =	vmul.f32 v4, v4;
	v1 =	vld [tilespmem:s18+$0x9E80]  }
0x39: {  	s19 =	sadd.s32 $0x40, s19  }
0x3a: {  	_ = 	snop  }
0x3b: {  	v3 =	vadd.f32 v4, v3;
	v2 =	vmul.f32 v2, v2;
	_ =	sdelay $0x1  }
0x3c: {  	v2 =	vadd.f32 v2, v3;
	_ =	sdelay $0x1  }
0x3d: {  	[tilespmem:s17+$0xC680] =	vst v2  }
0x3e: {  	v2 =	vld.idx.msk [tilespmem:v0+s2+$0x0], $0xffff  }
0x3f: {  	v57 =	vld.idx.msk [tilespmem:v1+s2+$0x0], $0xffff  }
0x40: {  	v58 =	vld.idx.msk [tilespmem:v1+s11+$0x0], $0xffff  }
0x41: {  	v5 =	vld.idx.msk [tilespmem:v0+s11+$0x0], $0xffff  }
0x42: {  	v59 =	vld.idx.msk [tilespmem:v1+s12+$0x0], $0xffff  }
0x43: {  	v60 =	vld.idx.msk [tilespmem:v0+s12+$0x0], $0xffff;
	_ =	sdelay $0x2  }
0x44: {  	v2 =	vsub.f32 v57, v2;
	v61 =	vsub.f32 v58, v5;
	_ =	sdelay $0x1  }
0x45: {  	v0 =	vsub.f32 v59, v60;
	v62 =	vmul.f32 v2, v2;
	v63 =	vmul.f32 v61, v61;
	_ =	sdelay $0x1  }
0x46: {  	v0 =	vmul.f32 v0, v0;
	v1 =	vadd.f32 v63, v62;
	_ =	sdelay $0x1  }
0x47: {  	s16 =	sadd.s32 $0x1, s16;
	v0 =	vadd.f32 v0, v1  }
0x48: {  	p0 =	sne.s32 s16, s9  }
.Ltmp1:
0x49: {  	[tilespmem:s18+$0xC680] =	vst v0;
	(pc) =	sbr.rel @p0 .LBB2_1-.Ltmp1, $4  }
0x4a: {  	[hbm4b:s8+s2] =	stream.linear.scatter [tilespmem:s15], [sflag:$0x1], $0x2800, $0x38;
	[tilespmem:$0xEE80] =	vst v63  }
0x4b: {  	_ =	swait.ge [sflag:s10], $0x2800  }
0x4c: {  	[sflag:s10] =	ssyncset.done $0x0  }
0x4d: {  	[sflag:s10] =	ssyncadd.s32 $0xFFFFD800  }
0x4e: {  	_ =	sfence.sel $0x180000  }
0x4f: {  	[bflag:$0x0] =	sbarrier.arrive $0xFFFF  }
0x50: {  	p0 =	sne.s32 s1, $0x0;
	_ =	strace $0x90000047  }
0x51: {  	s0 =	sadd.s32 @!p0 $0x100000, s0;
	[bflag:$0x2] =	sbarrier.arrive $0xFFFF  }
0x52: {  	[sflag:s0] =	ssyncadd.tile.s32 @!p0 $0x1;
	_ =	shalt  }
.Lfunc_end2:
_tile_overlayer_lowered:
.L_overlay_start_2:
0x53: {  	(tag) =	ssettag $0x2  }
0x54: {  	s0 =	rddreg [dreg:$0x0];
	s2 =	stileid.u32  }
0x55: {  	s1 =	rddreg [dreg:$0x1];
	p0 =	sne.s32 s2, $0x0  }
0x56: {  	s3 =	rddreg [dreg:$0x2];
	[bflag:$0x3] =	sbarrier.arrive $0xFFFF;
	s2 =	simm.s32 @!p0 $0x1C01  }
0x57: {  	[timem:s3], [sflag:s2] =	dma.local @!p0 [hbm:s0], s1  }
0x58: {  	s0 =	simm.s32 @!p0 $0x1  }
0x59: {  	_ =	swait.ge @!p0 [sflag:s0], s1  }
0x5a: {  	s1 =	ssub.s32 @!p0 $0x0, s1;
	[sflag:s0] =	ssyncset.done @!p0 $0x0  }
0x5b: {  	[sflag:s0] =	ssyncadd.s32 @!p0 s1  }
0x5c: {  	[bflag:$0x3] =	sbarrier.arrive $0xFFFF  }
0x5d: {  	_ =	shalt  }

// kernel: kernel.14.cloned.1.call-start
scs
__scs_entry_jumppad:
0x0: {  	(pc) =	sbr.rel $0x88, $3  }
0x1: {  	(tag) =	ssettag $0x0;
	lr =	simm.s32 $0x1  }
0x2: {  	[smem:$0x3F8E] =	sst lr;
	_ =	strace $0xD0000000  }
0x3: {  	_ = 	snop  }
0x4: {  	_ = 	snop  }
0x5: {  	_ = 	snop  }
0x6: {  	_ = 	snop  }
0x7: {  	_ = 	snop  }
__scs_overlays_trampoline_lowered:
0x8: {  	[smem:$0x3F9D] =	sst s0  }
0x9: {  	[smem:$0x3F9E] =	sst s1  }
0xa: {  	[smem:$0x3F9F] =	sst s2  }
0xb: {  	[smem:$0x3FA0] =	sst s3  }
0xc: {  	[smem:$0x3FA1] =	sst s4  }
0xd: {  	[smem:$0x3FA2] =	sst s5  }
0xe: {  	[smem:$0x3FA3] =	sst s6  }
0xf: {  	[smem:$0x3FA4] =	sst s7  }
0x10: {  	[smem:$0x3FA5] =	sst s8  }
0x11: {  	[smem:$0x3FA6] =	sst s9;
	s0 =	simm.s32 @!p0 $0x0  }
0x12: {  	s1 =	sld [smem:$0x3F8C];
	s0 =	simm.s32 @p0 $0x1  }
0x13: {  	[smem:$0x3FA7] =	sst s0;
	s0 =	simm.s32 @!p1 $0x0  }
0x14: {  	s2 =	sld [smem:$0x3F8B];
	s0 =	simm.s32 @p1 $0x1  }
0x15: {  	[smem:$0x3FA8] =	sst s0;
	s0 =	simm.s32 @!p2 $0x0  }
0x16: {  	s3 =	sld [smem:$0x3FDB];
	s0 =	simm.s32 @p2 $0x1  }
0x17: {  	s4 =	simm.s32 $0x1BF5;
	[smem:$0x3FAA] =	sst s0  }
0x18: {  	s0 =	sld [smem:$0x3F8D];
	_ =	swait.ge [sflag:s4], $0x0  }
0x19: {  	s7 =	sld [smem:$0x3F8E]  }
0x1a: {  	s8 =	sadd.s32 $0xFFFFE003, lr  }
0x1b: {  	s9 =	sadd.s32 $0xFFFFFEF7, lr;
	s5 =	simm.s32 $0xFFFFFFFF;
	p2 =	slt.u32 s8, $0xFFFFF086  }
0x1c: {  	p1 =	slt.u32 s9, $0xF7A;
	s5 =	simm.s32 @!p2 $0x0  }
0x1d: {  	s5 =	simm.s32 @p1 $0x1;
	p0 =	seq.s32 s7, s2  }
0x1e: {  	s7 =	smul.u32 @!p0 $0xF7A, s2;
	p2 =	seq.s32 @!p0 s5, $0x0  }
0x1f: {  	s9 =	smul.u32 $0xF7A, s1;
	s8 =	simm.s32 @!p0 $0x1BF5;
	p2 =	por !p2, p0  }
0x20: {  	[sflag:s8] =	ssyncset.s32 @!p0 $0xFFFFF086;
	s6 =	sadd.s32 @!p0 s3, s7;
	s7 =	simm.s32 @!p0 $0x108  }
0x21: {  	s3 =	sadd.s32 s3, s9;
	s6 =	sadd.s32 @!p0 $0x88, s6;
	s7 =	simm.s32 @p2 $0x1082  }
0x22: {  	[simem:s7], [sflag:s8] =	dma.local @!p0 [hbm:s6], $0xF7A  }
0x23: {  	s9 =	sor.u32 $0xD0000000, s2;
	s6 =	simm.s32 $0x108;
	_ =	swait.ge @!p0 [sflag:s8], $0x0  }
0x24: {  	s3 =	sadd.s32 $0x88, s3;
	s6 =	simm.s32 @!p1 $0x1082;
	[sflag:s4] =	ssyncset.s32 $0xFFFFF086  }
0x25: {  	[simem:s6], [sflag:s4] =	dma.local [hbm:s3], $0xF7A  }
0x26: {  	[smem:$0x3F8E] =	sst s1;
	(tag) =	ssettag s2;
	_ =	strace s9  }
0x27: {  	s1 =	sld [smem:$0x3F9E]  }
0x28: {  	s2 =	sld [smem:$0x3F9F]  }
0x29: {  	s4 =	sld [smem:$0x3FA1]  }
0x2a: {  	p0 =	seq.s32 s5, $0x0;
	s5 =	sld [smem:$0x3FA2]  }
0x2b: {  	s6 =	sld [smem:$0x3FA3]  }
0x2c: {  	s7 =	sld [smem:$0x3FA4]  }
0x2d: {  	s3 =	simm.s32 $0x108;
	s8 =	sld [smem:$0x3FA5]  }
0x2e: {  	s3 =	simm.s32 @!p0 $0x1082;
	s9 =	sld [smem:$0x3FA6]  }
0x2f: {  	lr =	sadd.s32 s0, s3;
	s0 =	sld [smem:$0x3F9D]  }
0x30: {  	s3 =	sld [smem:$0x3FA0]  }
0x31: {  	[smem:$0x3FA9] =	sst s10  }
0x32: {  	s10 =	sld [smem:$0x3FA7];
	_ =	sdelay $0x3  }
0x33: {  	p0 =	seq.s32 s10, $0x1;
	s10 =	sld [smem:$0x3FA9];
	_ =	sdelay $0x3  }
0x34: {  	[smem:$0x3FA9] =	sst s10  }
0x35: {  	s10 =	sld [smem:$0x3FA8];
	_ =	sdelay $0x3  }
0x36: {  	p1 =	seq.s32 s10, $0x1;
	s10 =	sld [smem:$0x3FA9];
	_ =	sdelay $0x3  }
0x37: {  	[smem:$0x3FA9] =	sst s10  }
0x38: {  	s10 =	sld [smem:$0x3FAA]  }
0x39: {  	_ = 	snop;
	(pc) =	sbr.ind lr, $3  }
0x3a: {  	_ = 	snop  }
0x3b: {  	_ = 	snop  }
0x3c: {  	p2 =	seq.s32 s10, $0x1;
	s10 =	sld [smem:$0x3FA9]  }
0x3d: {  	_ =	shalt  }
0x3e: {  	_ =	shalt  }
0x3f: {  	_ =	shalt  }
0x40: {  	_ =	shalt  }
0x41: {  	_ =	shalt  }
0x42: {  	_ =	shalt  }
0x43: {  	_ =	shalt  }
0x44: {  	_ =	shalt  }
0x45: {  	_ =	shalt  }
0x46: {  	_ =	shalt  }
0x47: {  	_ =	shalt  }
0x48: {  	_ =	shalt  }
0x49: {  	_ =	shalt  }
0x4a: {  	_ =	shalt  }
0x4b: {  	_ =	shalt  }
0x4c: {  	_ =	shalt  }
0x4d: {  	_ =	shalt  }
0x4e: {  	_ =	shalt  }
0x4f: {  	_ =	shalt  }
0x50: {  	_ =	shalt  }
0x51: {  	_ =	shalt  }
0x52: {  	_ =	shalt  }
0x53: {  	_ =	shalt  }
0x54: {  	_ =	shalt  }
0x55: {  	_ =	shalt  }
0x56: {  	_ =	shalt  }
0x57: {  	_ =	shalt  }
0x58: {  	_ =	shalt  }
0x59: {  	_ =	shalt  }
0x5a: {  	_ =	shalt  }
0x5b: {  	_ =	shalt  }
0x5c: {  	_ =	shalt  }
0x5d: {  	_ =	shalt  }
0x5e: {  	_ =	shalt  }
0x5f: {  	_ =	shalt  }
0x60: {  	_ =	shalt  }
0x61: {  	_ =	shalt  }
0x62: {  	_ =	shalt  }
0x63: {  	_ =	shalt  }
0x64: {  	_ =	shalt  }
0x65: {  	_ =	shalt  }
0x66: {  	_ =	shalt  }
0x67: {  	_ =	shalt  }
0x68: {  	_ =	shalt  }
0x69: {  	_ =	shalt  }
0x6a: {  	_ =	shalt  }
0x6b: {  	_ =	shalt  }
0x6c: {  	_ =	shalt  }
0x6d: {  	_ =	shalt  }
0x6e: {  	_ =	shalt  }
0x6f: {  	_ =	shalt  }
0x70: {  	_ =	shalt  }
0x71: {  	_ =	shalt  }
0x72: {  	_ =	shalt  }
0x73: {  	_ =	shalt  }
0x74: {  	_ =	shalt  }
0x75: {  	_ =	shalt  }
0x76: {  	_ =	shalt  }
0x77: {  	_ =	shalt  }
0x78: {  	_ =	shalt  }
0x79: {  	_ =	shalt  }
0x7a: {  	_ =	shalt  }
0x7b: {  	_ =	shalt  }
0x7c: {  	_ =	shalt  }
0x7d: {  	_ =	shalt  }
0x7e: {  	_ =	shalt  }
0x7f: {  	_ =	shalt  }
0x80: {  	_ =	shalt  }
0x81: {  	_ =	shalt  }
0x82: {  	_ =	shalt  }
0x83: {  	_ =	shalt  }
0x84: {  	_ =	shalt  }
0x85: {  	_ =	shalt  }
0x86: {  	_ =	shalt  }
0x87: {  	_ =	shalt  }
.Lfunc_end0:
.L_simem_size_0:
called_computation.1_lowered:
.L_overlay_start_0:
0x88: {  	s2 =	sld [smem:$0x3FD9]  }
0x89: {  	s3 =	sld [smem:$0x3FFE];
	_ =	sdelay $0x1  }
0x8a: {  	s1 =	srdreg.scid  }
0x8b: {  	s0 =	sand.u32 $0x1, s1  }
0x8c: {  	s16 =	sshll.u32 s0, $0xA;
	s2 =	sadd.s32 s3, s2  }
0x8d: {  	s2 =	sadd.s32 s2, s16  }
0x8e: {  	[smem:$0x3FB5] =	sst s2  }
0x8f: {  	_ = 	snop  }
0x90: {  	(tm) =	ssettm $0x1  }
0x91: {  	s17 =	sld [smem:$0x3FFB];
	_ =	sdelay $0x3  }
0x92: {  	_ =	strace s17  }
0x93: {  	s2 =	sld [smem:$0x3FFC];
	_ =	sdelay $0x3  }
0x94: {  	_ =	strace s2  }
0x95: {  	s2 =	sld [smem:$0x3FFD];
	_ =	sdelay $0x3  }
0x96: {  	_ =	strace s2  }
0x97: {  	_ =	strace $0x8FFFFFFF  }
0x98: {  	s18 =	sld [smem:$0x3FDB];
	_ =	sdelay $0x1  }
0x99: {  	s19 =	simm.s32 $_scs_section_size  }
0x9a: {  	s4 =	simm.s32 $_size__tile_overlayer_lowered;
	s5 =	simm.s32 $_tile_overlayer_lowered  }
0x9b: {  	s22 =	simm.s32 $0x1BFF;
	s21 =	sshll.u32 s5, $0x1;
	s2 =	sadd.s32 s19, s18  }
0x9c: {  	s6 =	simm.s32 $0x0;
	s20 =	sshll.u32 s4, $0x1;
	s4 =	sadd.s32 s21, s2  }
0x9d: {  	[timem:s6], [sflag:s22] =	dma.local [hbm:s4], s20  }
0x9e: {  	_ =	swait.ge [sflag:s22], s20  }
0x9f: {  	s3 =	ssub.s32 $0x0, s20;
	[sflag:s22] =	ssyncset.done $0x0  }
0xa0: {  	[sflag:s22] =	ssyncadd.s32 s3;
	_ =	sdelay $0x1  }
0xa1: {  	s23 =	simm.s32 $0x1B8B  }
0xa2: {  	_ =	swait.ge [sflag:s23], $0x1  }
0xa3: {  	[sflag:s23] =	ssyncset.done $0x0  }
0xa4: {  	s25 =	simm.s32 $0x1B8E;
	s24 =	sld [smem:$0x3FFE];
	[sflag:s23] =	ssyncadd.s32 $0xFFFFFFFF  }
0xa5: {  	s26 =	simm.s32 $execute0_lowered;
	[smem:$0x3FD2] =	sst s25  }
0xa6: {  	s4 =	sshll.u32 s26, $0x1;
	_ =	strace $0x80000049;
	[dreg:$0x1] =	wrdreg $0xFFFFFFFF  }
0xa7: {  	s28 =	simm.s32 $_size_execute0_lowered;
	s2 =	sadd.s32 s2, s4;
	[dreg:$0x0] =	wrdreg $0x0  }
0xa8: {  	s4 =	sshll.u32 s28, $0x1;
	[dreg:$0x2] =	wrdreg s2  }
0xa9: {  	[dreg:$0x3] =	wrdreg s4  }
0xaa: {  	[dreg:$0x4] =	wrdreg $0xC0  }
0xab: {  	_ =	task [dreg:s6], $0x5FFFF  }
0xac: {  	[dreg:$0x1] =	wrdreg $0xFFFFFFFF  }
0xad: {  	[dreg:$0x0] =	wrdreg $0x60  }
0xae: {  	[dreg:$0x2] =	wrdreg s24  }
0xaf: {  	[dreg:$0x3] =	wrdreg $0xA8800  }
0xb0: {  	[dreg:$0x4] =	wrdreg $0x9  }
0xb1: {  	_ =	task.clear_ibuf [dreg:s6], $0x5FFFF;
	_ =	strace $0x90000049  }
0xb2: {  	s29 =	simm.s32 $0x9;
	_ =	strace $0x8000004B  }
0xb3: {  	_ =	swait.ge [sflag:s29], $0x1  }
0xb4: {  	[sflag:s29] =	ssyncadd.s32 $0xFFFFFFFF  }
0xb5: {  	_ =	strace $0x9000004B  }
0xb6: {  	_ =	sfence  }
0xb7: {  	s30 =	sld [smem:$0x0];
	_ =	sdelay $0x2  }
0xb8: {  	s31 =	sshll.u32 s1, $0xD;
	s1 =	sshrl.u32 s1, $0x2  }
0xb9: {  	s3 =	sand.u32 $0x4000, s31;
	s1 =	sadd.s32 s1, s30  }
0xba: {  	s0 =	sor.u32 s3, s0;
	s1 =	sshll.u32 s1, $0x11  }
0xbb: {  	s0 =	sor.u32 s1, s0  }
0xbc: {  	s0 =	sadd.s32 $0x8F2B, s0  }
0xbd: {  	[sflag:s0] =	ssyncadd.remote.s32 $0x1  }
0xbe: {  	_ =	sfence.sel $0xFFFF  }
0xbf: {  	[dreg:$0x0] =	wrdreg $0xFFFFFFFF;
	(pc) =	sbr.abs _section_cstart, $3  }
0xc0: {  	[dreg:$0x1] =	wrdreg $0xFFFFFFFF  }
0xc1: {  	_ =	task.clear_ibuf [dreg:s6], $0x2FFFF;
	_ =	strace $0x9FFFFFFF  }
0xc2: {  	(tm) =	ssettm $0x7FFFFFFF  }
0xc3: {  	_ =	shalt  }
tec
execute0_lowered:
.L_overlay_start_1:
0x0: {  	(tag) =	ssettag $0x1  }
0x1: {  	s1 =	srdreg.scid  }
0x2: {  	s0 =	stileid.u32;
	s8 =	rddreg [dreg:$0x0]  }
0x3: {  	s2 =	rddreg [dreg:$0x1];
	s3 =	simm.s32 $0x0;
	s17 =	simm.s32 $0x1  }
0x4: {  	s18 =	simm.s32 $0x2880;
	s19 =	simm.s32 $0x2;
	s20 =	simm.s32 $0x3  }
0x5: {  	s21 =	simm.s32 $0x0;
	s9 =	sand.u32 $0x1, s1;
	s1 =	rddreg [dreg:$0x2]  }
0x6: {  	s26 =	sshll.u32 s0, $0x1;
	[smem:$0x7FF] =	sst s3;
	s10 =	smul.u32 $0x14000, s0  }
0x7: {  	s5 =	sadd.s32 $0x24E00, s8;
	s6 =	sadd.s32 $0x574E00, s8;
	s7 =	sadd.s32 $0x4C00, s8  }
0x8: {  	s28 =	smul.u32 $0x50000, s0;
	s31 =	sshll.u32 s0, $0x6;
	s4 =	sor.u32 s9, s26  }
0x9: {  	_ =	strace $0x8000004A;
	s11 =	smul.u32 $0x140000, s9;
	s9 =	ssub.s32 $0x2, s9  }
0xa: {  	s4 =	smul.u32 $0x2800, s4;
	s13 =	sshrl.u32 s10, $0x3;
	s29 =	sshrl.u32 s9, $0x1  }
0xb: {  	s30 =	sshrl.u32 s28, $0x2;
	s10 =	sadd.s32 s10, s11;
	s13 =	sadd.s32 s13, s8  }
0xc: {  	s15 =	ssub.s32 s9, s29;
	s16 =	sadd.s32 s30, s2;
	s12 =	sshrl.u32 s4, $0x3  }
0xd: {  	s9 =	sor.u32 $0x1C04, s31;
	s10 =	sshrl.u32 s10, $0x3;
	s12 =	sadd.s32 s12, s8  }
0xe: {  	s14 =	sadd.s32 s10, s8;
	s8 =	sadd.s32 $0x74E00, s13;
	s13 =	sshrl.u32 s16, $0x3  }
0xf: {  	s16 =	simm.s32 $0x6880;
	s10 =	sadd.s32 $0xEC00, s12;
	s11 =	sadd.s32 $0x9CE00, s14  }
0x10: {  	s12 =	smax.u32 s15, $0x1;
	s14 =	simm.s32 $0x4;
	s15 =	simm.s32 $0x80  }
.LBB2_1:
0x11: {  	[spmem:s13], [sflag:s9] =	dma.local [hbm:s8], $0x2800  }
0x12: {  	_ =	swait.ge [sflag:s14], $0x2800  }
0x13: {  	[sflag:s14] =	ssyncset.done $0x0  }
0x14: {  	[sflag:s14] =	ssyncadd.s32 $0xFFFFD800  }
0x15: {  	[tilespmem:s15], [sflag:$0x4] =	stream.linear.gather [hbm4b:s10+s3], $0x2800, $0x38;
	[tilespmem:$0x1E880] =	vst v63  }
0x16: {  	_ =	swait.ge [sflag:s14], $0x2800  }
0x17: {  	[sflag:s14] =	ssyncset.done $0x0  }
0x18: {  	[sflag:s14] =	ssyncadd.s32 $0xFFFFD800  }
0x19: {  	s22 =	simm.s32 $0x0;
	[bflag:$0x0] =	sbarrier.arrive $0xFFFF  }
.LBB2_2:
0x1a: {  	s23 =	sshll.u32 s22, $0x7  }
0x1b: {  	s24 =	sand.u32 $0x3C00, s23  }
0x1c: {  	s25 =	sand.u32 $0x380, s23;
	s24 =	sadd.s32 s4, s24  }
0x1d: {  	s24 =	sor.u32 s25, s24  }
0x1e: {  	s30 =	sadd.s32 s4, s23;
	s24 =	sshrl.u32 s24, $0x3  }
0x1f: {  	s26 =	simm.s32 $0x0;
	s31 =	sshll.u32 s30, $0x4;
	s24 =	sadd.s32 s7, s24  }
0x20: {  	[tilespmem:s26], [sflag:$0x1] =	stream.linear.gather [hbm4b:s24+s26], $0x80, $0x38;
	[tilespmem:$0x1E880] =	vst v63  }
0x21: {  	s24 =	sadd.s32 s6, s31  }
0x22: {  	[tilespmem:s16], [sflag:$0x2] =	stream.linear.gather [hbm4b:s24+s26], $0x4000, $0x38;
	[tilespmem:$0x1E880] =	vst v63  }
0x23: {  	_ =	swait.ge [sflag:s17], $0x80  }
0x24: {  	[sflag:s17] =	ssyncset.done $0x0  }
0x25: {  	[sflag:s17] =	ssyncadd.s32 $0xFFFFFF80  }
0x26: {  	[tilespmem:s18], [sflag:$0x3] =	stream.indirect.gather [hbm4b:s5+s15], $0x80, s26, s15, $0xb8;
	[tilespmem:$0x1E880] =	vst v63  }
0x27: {  	_ =	swait.ge [sflag:s19], $0x4000  }
0x28: {  	[sflag:s19] =	ssyncset.done $0x0  }
0x29: {  	[sflag:s19] =	ssyncadd.s32 $0xFFFFC000  }
0x2a: {  	_ =	swait.ge [sflag:s20], $0x4000  }
0x2b: {  	[sflag:s20] =	ssyncset.done $0x0  }
0x2c: {  	s24 =	simm.s32 $0x0;
	[sflag:s20] =	ssyncadd.s32 $0xFFFFC000  }
0x2d: {  	v7 =	vld [tilespmem:s24+$0x6880]  }
0x2e: {  	v11 =	vld [tilespmem:s24+$0x6890]  }
0x2f: {  	v5 =	vld [tilespmem:s24+$0x68A0]  }
0x30: {  	v4 =	vld [tilespmem:s24+$0x68B0]  }
0x31: {  	v3 =	vld [tilespmem:s24+$0x68C0]  }
0x32: {  	v2 =	vld [tilespmem:s24+$0x68D0]  }
0x33: {  	v1 =	vld [tilespmem:s24+$0x68E0]  }
0x34: {  	v0 =	vld [tilespmem:s24+$0x68F0]  }
0x35: {  	v12 =	vld [tilespmem:s24+$0x2880]  }
0x36: {  	v13 =	vld [tilespmem:s24+$0x2890]  }
0x37: {  	v10 =	vld [tilespmem:s24+$0x28A0]  }
0x38: {  	v9 =	vld [tilespmem:s24+$0x28B0]  }
0x39: {  	v8 =	vld [tilespmem:s24+$0x28C0]  }
0x3a: {  	v6 =	vld [tilespmem:s24+$0x28D0];
	v12 =	vmul.f32 v7, v12  }
0x3b: {  	s25 =	simm.s32 $0x200;
	v11 =	vmul.f32 v11, v13;
	v7 =	vld [tilespmem:s24+$0x28E0]  }
.LBB2_3:
0x3c: {  	s26 =	sshra.s32 s25, $0x2;
	p0 =	sne.s32 s25, $0xFE00;
	[tilespmem:s24+$0x2880] =	vst v12;
	v5 =	vmul.f32 v5, v10;
	v10 =	vld [tilespmem:s24+$0x28F0]  }
0x3d: {  	v12 =	vld [tilespmem:s26+$0x6880];
	[tilespmem:s24+$0x2890] =	vst v11;
	v4 =	vmul.f32 v4, v9  }
0x3e: {  	v11 =	vld [tilespmem:s26+$0x6890];
	[tilespmem:s24+$0x28A0] =	vst v5;
	v3 =	vmul.f32 v3, v8  }
0x3f: {  	v5 =	vld [tilespmem:s26+$0x68A0];
	[tilespmem:s24+$0x28B0] =	vst v4;
	v2 =	vmul.f32 v2, v6  }
0x40: {  	v4 =	vld [tilespmem:s26+$0x68B0];
	[tilespmem:s24+$0x28C0] =	vst v3;
	v1 =	vmul.f32 v1, v7  }
0x41: {  	v3 =	vld [tilespmem:s26+$0x68C0];
	[tilespmem:s24+$0x28D0] =	vst v2;
	v0 =	vmul.f32 v0, v10  }
0x42: {  	v2 =	vld [tilespmem:s26+$0x68D0];
	[tilespmem:s24+$0x28E0] =	vst v1  }
0x43: {  	v1 =	vld [tilespmem:s26+$0x68E0];
	[tilespmem:s24+$0x28F0] =	vst v0;
	s24 =	smov.u32 s26  }
0x44: {  	v0 =	vld [tilespmem:s24+$0x68F0]  }
0x45: {  	v6 =	vld [tilespmem:s24+$0x2880]  }
0x46: {  	v7 =	vld [tilespmem:s24+$0x2890]  }
.Ltmp0:
0x47: {  	v10 =	vld [tilespmem:s24+$0x28A0];
	(pc) =	sbr.rel @p0 .LBB2_3-.Ltmp0, $4  }
0x48: {  	v9 =	vld [tilespmem:s24+$0x28B0]  }
0x49: {  	v8 =	vld [tilespmem:s24+$0x28C0]  }
0x4a: {  	v12 =	vmul.f32 v12, v6;
	v6 =	vld [tilespmem:s24+$0x28D0]  }
0x4b: {  	s25 =	sadd.s32 $0x200, s25;
	v11 =	vmul.f32 v11, v7;
	v7 =	vld [tilespmem:s24+$0x28E0]  }
0x4c: {  	[tilespmem:s24+$0x2880] =	vst v12;
	v5 =	vmul.f32 v5, v10;
	v63 =	vld [tilespmem:s24+$0x28F0]  }
0x4d: {  	[tilespmem:s24+$0x2890] =	vst v11;
	v4 =	vmul.f32 v4, v9  }
0x4e: {  	[tilespmem:s24+$0x28A0] =	vst v5;
	v3 =	vmul.f32 v3, v8  }
0x4f: {  	[tilespmem:s24+$0x28B0] =	vst v4;
	v2 =	vmul.f32 v2, v6  }
0x50: {  	[tilespmem:s24+$0x28C0] =	vst v3;
	v1 =	vmul.f32 v1, v7  }
0x51: {  	s22 =	sadd.s32 $0x1, s22;
	[tilespmem:s24+$0x28D0] =	vst v2;
	v0 =	vmul.f32 v0, v63  }
0x52: {  	p0 =	sne.s32 s22, $0x50;
	[tilespmem:s24+$0x28E0] =	vst v1  }
.Ltmp1:
0x53: {  	s23 =	sadd.s32 $0x80, s23;
	[tilespmem:s24+$0x28F0] =	vst v0;
	(pc) =	sbr.rel @p0 .LBB2_2-.Ltmp1, $4  }
0x54: {  	[spmem:s2] =	stream.indirect.scatter.add.f32 [tilespmem:s18], [sflag:$0x4], $0x80, s23, s15, $0xb8;
	[tilespmem:$0x1E880] =	vst v63  }
0x55: {  	_ =	swait.ge [sflag:s14], $0x4000  }
0x56: {  	[sflag:s14] =	ssyncset.done $0x0  }
0x57: {  	[sflag:s14] =	ssyncadd.s32 $0xFFFFC000  }
0x58: {  	s21 =	sadd.s32 $0x1, s21  }
0x59: {  	p0 =	sne.s32 s21, s12  }
.Ltmp2:
0x5a: {  	[bflag:$0x0] =	sbarrier.arrive $0xFFFF;
	(pc) =	sbr.rel @p0 .LBB2_1-.Ltmp2, $4  }
0x5b: {  	[hbm:s11], [sflag:s9] =	dma.local [spmem:s13], $0x2800  }
0x5c: {  	_ =	swait.ge [sflag:s14], $0x2800  }
0x5d: {  	[sflag:s14] =	ssyncset.done $0x0  }
0x5e: {  	[sflag:s14] =	ssyncadd.s32 $0xFFFFD800  }
0x5f: {  	_ =	sfence.sel $0x180000  }
0x60: {  	[bflag:$0x0] =	sbarrier.arrive $0xFFFF  }
0x61: {  	p0 =	sne.s32 s0, $0x0;
	_ =	strace $0x9000004A  }
0x62: {  	s0 =	sadd.s32 @!p0 $0x100000, s1;
	[bflag:$0x2] =	sbarrier.arrive $0xFFFF  }
0x63: {  	[sflag:s0] =	ssyncadd.tile.s32 @!p0 $0x1;
	_ =	shalt  }
.Lfunc_end2:
_tile_overlayer_lowered:
.L_overlay_start_2:
0x64: {  	(tag) =	ssettag $0x2  }
0x65: {  	s0 =	rddreg [dreg:$0x0];
	s2 =	stileid.u32  }
0x66: {  	s1 =	rddreg [dreg:$0x1];
	p0 =	sne.s32 s2, $0x0  }
0x67: {  	s3 =	rddreg [dreg:$0x2];
	[bflag:$0x3] =	sbarrier.arrive $0xFFFF;
	s2 =	simm.s32 @!p0 $0x1C04  }
0x68: {  	[timem:s3], [sflag:s2] =	dma.local @!p0 [hbm:s0], s1  }
0x69: {  	s0 =	simm.s32 @!p0 $0x4  }
0x6a: {  	_ =	swait.ge @!p0 [sflag:s0], s1  }
0x6b: {  	s1 =	ssub.s32 @!p0 $0x0, s1;
	[sflag:s0] =	ssyncset.done @!p0 $0x0  }
0x6c: {  	[sflag:s0] =	ssyncadd.s32 @!p0 s1  }
0x6d: {  	[bflag:$0x3] =	sbarrier.arrive $0xFFFF  }
0x6e: {  	_ =	shalt  }

// kernel: kernel.17.cloned.1.call-start
scs
__scs_entry_jumppad:
0x0: {  	(pc) =	sbr.rel $0x88, $3  }
0x1: {  	(tag) =	ssettag $0x0;
	lr =	simm.s32 $0x1  }
0x2: {  	[smem:$0x3F8E] =	sst lr;
	_ =	strace $0xD0000000  }
0x3: {  	_ = 	snop  }
0x4: {  	_ = 	snop  }
0x5: {  	_ = 	snop  }
0x6: {  	_ = 	snop  }
0x7: {  	_ = 	snop  }
__scs_overlays_trampoline_lowered:
0x8: {  	[smem:$0x3F9D] =	sst s0  }
0x9: {  	[smem:$0x3F9E] =	sst s1  }
0xa: {  	[smem:$0x3F9F] =	sst s2  }
0xb: {  	[smem:$0x3FA0] =	sst s3  }
0xc: {  	[smem:$0x3FA1] =	sst s4  }
0xd: {  	[smem:$0x3FA2] =	sst s5  }
0xe: {  	[smem:$0x3FA3] =	sst s6  }
0xf: {  	[smem:$0x3FA4] =	sst s7  }
0x10: {  	[smem:$0x3FA5] =	sst s8  }
0x11: {  	[smem:$0x3FA6] =	sst s9;
	s0 =	simm.s32 @!p0 $0x0  }
0x12: {  	s1 =	sld [smem:$0x3F8C];
	s0 =	simm.s32 @p0 $0x1  }
0x13: {  	[smem:$0x3FA7] =	sst s0;
	s0 =	simm.s32 @!p1 $0x0  }
0x14: {  	s2 =	sld [smem:$0x3F8B];
	s0 =	simm.s32 @p1 $0x1  }
0x15: {  	[smem:$0x3FA8] =	sst s0;
	s0 =	simm.s32 @!p2 $0x0  }
0x16: {  	s3 =	sld [smem:$0x3FDB];
	s0 =	simm.s32 @p2 $0x1  }
0x17: {  	s4 =	simm.s32 $0x1BF5;
	[smem:$0x3FAA] =	sst s0  }
0x18: {  	s0 =	sld [smem:$0x3F8D];
	_ =	swait.ge [sflag:s4], $0x0  }
0x19: {  	s7 =	sld [smem:$0x3F8E]  }
0x1a: {  	s8 =	sadd.s32 $0xFFFFE003, lr  }
0x1b: {  	s9 =	sadd.s32 $0xFFFFFEF7, lr;
	s5 =	simm.s32 $0xFFFFFFFF;
	p2 =	slt.u32 s8, $0xFFFFF086  }
0x1c: {  	p1 =	slt.u32 s9, $0xF7A;
	s5 =	simm.s32 @!p2 $0x0  }
0x1d: {  	s5 =	simm.s32 @p1 $0x1;
	p0 =	seq.s32 s7, s2  }
0x1e: {  	s7 =	smul.u32 @!p0 $0xF7A, s2;
	p2 =	seq.s32 @!p0 s5, $0x0  }
0x1f: {  	s9 =	smul.u32 $0xF7A, s1;
	s8 =	simm.s32 @!p0 $0x1BF5;
	p2 =	por !p2, p0  }
0x20: {  	[sflag:s8] =	ssyncset.s32 @!p0 $0xFFFFF086;
	s6 =	sadd.s32 @!p0 s3, s7;
	s7 =	simm.s32 @!p0 $0x108  }
0x21: {  	s3 =	sadd.s32 s3, s9;
	s6 =	sadd.s32 @!p0 $0x88, s6;
	s7 =	simm.s32 @p2 $0x1082  }
0x22: {  	[simem:s7], [sflag:s8] =	dma.local @!p0 [hbm:s6], $0xF7A  }
0x23: {  	s9 =	sor.u32 $0xD0000000, s2;
	s6 =	simm.s32 $0x108;
	_ =	swait.ge @!p0 [sflag:s8], $0x0  }
0x24: {  	s3 =	sadd.s32 $0x88, s3;
	s6 =	simm.s32 @!p1 $0x1082;
	[sflag:s4] =	ssyncset.s32 $0xFFFFF086  }
0x25: {  	[simem:s6], [sflag:s4] =	dma.local [hbm:s3], $0xF7A  }
0x26: {  	[smem:$0x3F8E] =	sst s1;
	(tag) =	ssettag s2;
	_ =	strace s9  }
0x27: {  	s1 =	sld [smem:$0x3F9E]  }
0x28: {  	s2 =	sld [smem:$0x3F9F]  }
0x29: {  	s4 =	sld [smem:$0x3FA1]  }
0x2a: {  	p0 =	seq.s32 s5, $0x0;
	s5 =	sld [smem:$0x3FA2]  }
0x2b: {  	s6 =	sld [smem:$0x3FA3]  }
0x2c: {  	s7 =	sld [smem:$0x3FA4]  }
0x2d: {  	s3 =	simm.s32 $0x108;
	s8 =	sld [smem:$0x3FA5]  }
0x2e: {  	s3 =	simm.s32 @!p0 $0x1082;
	s9 =	sld [smem:$0x3FA6]  }
0x2f: {  	lr =	sadd.s32 s0, s3;
	s0 =	sld [smem:$0x3F9D]  }
0x30: {  	s3 =	sld [smem:$0x3FA0]  }
0x31: {  	[smem:$0x3FA9] =	sst s10  }
0x32: {  	s10 =	sld [smem:$0x3FA7];
	_ =	sdelay $0x3  }
0x33: {  	p0 =	seq.s32 s10, $0x1;
	s10 =	sld [smem:$0x3FA9];
	_ =	sdelay $0x3  }
0x34: {  	[smem:$0x3FA9] =	sst s10  }
0x35: {  	s10 =	sld [smem:$0x3FA8];
	_ =	sdelay $0x3  }
0x36: {  	p1 =	seq.s32 s10, $0x1;
	s10 =	sld [smem:$0x3FA9];
	_ =	sdelay $0x3  }
0x37: {  	[smem:$0x3FA9] =	sst s10  }
0x38: {  	s10 =	sld [smem:$0x3FAA]  }
0x39: {  	_ = 	snop;
	(pc) =	sbr.ind lr, $3  }
0x3a: {  	_ = 	snop  }
0x3b: {  	_ = 	snop  }
0x3c: {  	p2 =	seq.s32 s10, $0x1;
	s10 =	sld [smem:$0x3FA9]  }
0x3d: {  	_ =	shalt  }
0x3e: {  	_ =	shalt  }
0x3f: {  	_ =	shalt  }
0x40: {  	_ =	shalt  }
0x41: {  	_ =	shalt  }
0x42: {  	_ =	shalt  }
0x43: {  	_ =	shalt  }
0x44: {  	_ =	shalt  }
0x45: {  	_ =	shalt  }
0x46: {  	_ =	shalt  }
0x47: {  	_ =	shalt  }
0x48: {  	_ =	shalt  }
0x49: {  	_ =	shalt  }
0x4a: {  	_ =	shalt  }
0x4b: {  	_ =	shalt  }
0x4c: {  	_ =	shalt  }
0x4d: {  	_ =	shalt  }
0x4e: {  	_ =	shalt  }
0x4f: {  	_ =	shalt  }
0x50: {  	_ =	shalt  }
0x51: {  	_ =	shalt  }
0x52: {  	_ =	shalt  }
0x53: {  	_ =	shalt  }
0x54: {  	_ =	shalt  }
0x55: {  	_ =	shalt  }
0x56: {  	_ =	shalt  }
0x57: {  	_ =	shalt  }
0x58: {  	_ =	shalt  }
0x59: {  	_ =	shalt  }
0x5a: {  	_ =	shalt  }
0x5b: {  	_ =	shalt  }
0x5c: {  	_ =	shalt  }
0x5d: {  	_ =	shalt  }
0x5e: {  	_ =	shalt  }
0x5f: {  	_ =	shalt  }
0x60: {  	_ =	shalt  }
0x61: {  	_ =	shalt  }
0x62: {  	_ =	shalt  }
0x63: {  	_ =	shalt  }
0x64: {  	_ =	shalt  }
0x65: {  	_ =	shalt  }
0x66: {  	_ =	shalt  }
0x67: {  	_ =	shalt  }
0x68: {  	_ =	shalt  }
0x69: {  	_ =	shalt  }
0x6a: {  	_ =	shalt  }
0x6b: {  	_ =	shalt  }
0x6c: {  	_ =	shalt  }
0x6d: {  	_ =	shalt  }
0x6e: {  	_ =	shalt  }
0x6f: {  	_ =	shalt  }
0x70: {  	_ =	shalt  }
0x71: {  	_ =	shalt  }
0x72: {  	_ =	shalt  }
0x73: {  	_ =	shalt  }
0x74: {  	_ =	shalt  }
0x75: {  	_ =	shalt  }
0x76: {  	_ =	shalt  }
0x77: {  	_ =	shalt  }
0x78: {  	_ =	shalt  }
0x79: {  	_ =	shalt  }
0x7a: {  	_ =	shalt  }
0x7b: {  	_ =	shalt  }
0x7c: {  	_ =	shalt  }
0x7d: {  	_ =	shalt  }
0x7e: {  	_ =	shalt  }
0x7f: {  	_ =	shalt  }
0x80: {  	_ =	shalt  }
0x81: {  	_ =	shalt  }
0x82: {  	_ =	shalt  }
0x83: {  	_ =	shalt  }
0x84: {  	_ =	shalt  }
0x85: {  	_ =	shalt  }
0x86: {  	_ =	shalt  }
0x87: {  	_ =	shalt  }
.Lfunc_end0:
.L_simem_size_0:
called_computation.2_lowered:
.L_overlay_start_0:
0x88: {  	s2 =	sld [smem:$0x3FD9]  }
0x89: {  	s3 =	sld [smem:$0x3FFE];
	_ =	sdelay $0x1  }
0x8a: {  	s1 =	srdreg.scid  }
0x8b: {  	s0 =	sand.u32 $0x1, s1  }
0x8c: {  	s16 =	sshll.u32 s0, $0xA;
	s2 =	sadd.s32 s3, s2  }
0x8d: {  	s2 =	sadd.s32 s2, s16  }
0x8e: {  	[smem:$0x3FB5] =	sst s2  }
0x8f: {  	_ = 	snop  }
0x90: {  	(tm) =	ssettm $0x1  }
0x91: {  	s17 =	sld [smem:$0x3FFB];
	_ =	sdelay $0x3  }
0x92: {  	_ =	strace s17  }
0x93: {  	s2 =	sld [smem:$0x3FFC];
	_ =	sdelay $0x3  }
0x94: {  	_ =	strace s2  }
0x95: {  	s2 =	sld [smem:$0x3FFD];
	_ =	sdelay $0x3  }
0x96: {  	_ =	strace s2  }
0x97: {  	_ =	strace $0x8FFFFFFF  }
0x98: {  	s18 =	sld [smem:$0x3FDB];
	_ =	sdelay $0x1  }
0x99: {  	s19 =	simm.s32 $_scs_section_size  }
0x9a: {  	s4 =	simm.s32 $_size__tile_overlayer_lowered;
	s5 =	simm.s32 $_tile_overlayer_lowered  }
0x9b: {  	s22 =	simm.s32 $0x1BFF;
	s21 =	sshll.u32 s5, $0x1;
	s2 =	sadd.s32 s19, s18  }
0x9c: {  	s6 =	simm.s32 $0x0;
	s20 =	sshll.u32 s4, $0x1;
	s4 =	sadd.s32 s21, s2  }
0x9d: {  	[timem:s6], [sflag:s22] =	dma.local [hbm:s4], s20  }
0x9e: {  	_ =	swait.ge [sflag:s22], s20  }
0x9f: {  	s3 =	ssub.s32 $0x0, s20;
	[sflag:s22] =	ssyncset.done $0x0  }
0xa0: {  	[sflag:s22] =	ssyncadd.s32 s3;
	_ =	sdelay $0x1  }
0xa1: {  	s23 =	simm.s32 $0x1B8B  }
0xa2: {  	_ =	swait.ge [sflag:s23], $0x1  }
0xa3: {  	[sflag:s23] =	ssyncset.done $0x0  }
0xa4: {  	s25 =	simm.s32 $0x1B8E;
	s24 =	sld [smem:$0x3FFE];
	[sflag:s23] =	ssyncadd.s32 $0xFFFFFFFF  }
0xa5: {  	s26 =	simm.s32 $execute0_lowered;
	[smem:$0x3FD2] =	sst s25  }
0xa6: {  	s4 =	sshll.u32 s26, $0x1;
	_ =	strace $0x8000004C;
	[dreg:$0x1] =	wrdreg $0xFFFFFFFF  }
0xa7: {  	s28 =	simm.s32 $_size_execute0_lowered;
	s2 =	sadd.s32 s2, s4;
	[dreg:$0x0] =	wrdreg $0x0  }
0xa8: {  	s4 =	sshll.u32 s28, $0x1;
	[dreg:$0x2] =	wrdreg s2  }
0xa9: {  	[dreg:$0x3] =	wrdreg s4  }
0xaa: {  	[dreg:$0x4] =	wrdreg $0xC0  }
0xab: {  	_ =	task [dreg:s6], $0x5FFFF  }
0xac: {  	[dreg:$0x1] =	wrdreg $0xFFFFFFFF  }
0xad: {  	[dreg:$0x0] =	wrdreg $0x60  }
0xae: {  	[dreg:$0x2] =	wrdreg s24  }
0xaf: {  	[dreg:$0x3] =	wrdreg $0xA8800  }
0xb0: {  	[dreg:$0x4] =	wrdreg $0x9  }
0xb1: {  	_ =	task.clear_ibuf [dreg:s6], $0x5FFFF;
	_ =	strace $0x9000004C  }
0xb2: {  	s29 =	simm.s32 $0x9;
	_ =	strace $0x8000004E  }
0xb3: {  	_ =	swait.ge [sflag:s29], $0x1  }
0xb4: {  	[sflag:s29] =	ssyncadd.s32 $0xFFFFFFFF  }
0xb5: {  	_ =	strace $0x9000004E  }
0xb6: {  	_ =	sfence  }
0xb7: {  	s30 =	sld [smem:$0x0];
	_ =	sdelay $0x2  }
0xb8: {  	s31 =	sshll.u32 s1, $0xD;
	s1 =	sshrl.u32 s1, $0x2  }
0xb9: {  	s3 =	sand.u32 $0x4000, s31;
	s1 =	sadd.s32 s1, s30  }
0xba: {  	s0 =	sor.u32 s3, s0;
	s1 =	sshll.u32 s1, $0x11  }
0xbb: {  	s0 =	sor.u32 s1, s0  }
0xbc: {  	s0 =	sadd.s32 $0x8F2B, s0  }
0xbd: {  	[sflag:s0] =	ssyncadd.remote.s32 $0x1  }
0xbe: {  	_ =	sfence.sel $0xFFFF  }
0xbf: {  	[dreg:$0x0] =	wrdreg $0xFFFFFFFF;
	(pc) =	sbr.abs _section_cstart, $3  }
0xc0: {  	[dreg:$0x1] =	wrdreg $0xFFFFFFFF  }
0xc1: {  	_ =	task.clear_ibuf [dreg:s6], $0x2FFFF;
	_ =	strace $0x9FFFFFFF  }
0xc2: {  	(tm) =	ssettm $0x7FFFFFFF  }
0xc3: {  	_ =	shalt  }
tec
execute0_lowered:
.L_overlay_start_1:
0x0: {  	(tag) =	ssettag $0x1  }
0x1: {  	s1 =	srdreg.scid  }
0x2: {  	s0 =	stileid.u32;
	s10 =	rddreg [dreg:$0x0]  }
0x3: {  	s2 =	rddreg [dreg:$0x1];
	s3 =	simm.s32 $0x0;
	s16 =	simm.s32 $0x6880  }
0x4: {  	s17 =	simm.s32 $0x1;
	s18 =	simm.s32 $0x2880;
	s19 =	simm.s32 $0x2  }
0x5: {  	s20 =	simm.s32 $0x3;
	s7 =	sand.u32 $0x1, s1;
	s1 =	rddreg [dreg:$0x2]  }
0x6: {  	s21 =	simm.s32 $0x0;
	s28 =	sshll.u32 s0, $0x1;
	[smem:$0x7FF] =	sst s3  }
0x7: {  	s8 =	smul.u32 $0x14000, s0;
	s5 =	sadd.s32 $0x24E00, s10;
	s6 =	sadd.s32 $0x4C00, s10  }
0x8: {  	s29 =	smul.u32 $0x50000, s0;
	s31 =	sshll.u32 s0, $0x6;
	s4 =	sor.u32 s7, s28  }
0x9: {  	_ =	strace $0x8000004D;
	s11 =	smul.u32 $0x140000, s7;
	s7 =	ssub.s32 $0x2, s7  }
0xa: {  	s4 =	smul.u32 $0x2800, s4;
	s12 =	sshrl.u32 s8, $0x3;
	s30 =	sshrl.u32 s7, $0x1  }
0xb: {  	s8 =	sadd.s32 s8, s11;
	s12 =	sadd.s32 s12, s10;
	s11 =	sshrl.u32 s29, $0x2  }
0xc: {  	s14 =	ssub.s32 s7, s30;
	s9 =	sshrl.u32 s4, $0x3;
	s8 =	sshrl.u32 s8, $0x3  }
0xd: {  	s15 =	sadd.s32 s11, s2;
	s7 =	sadd.s32 $0x74E00, s12;
	s12 =	smax.u32 s14, $0x1  }
0xe: {  	s14 =	simm.s32 $0x4;
	s9 =	sadd.s32 s9, s10;
	s13 =	sadd.s32 s8, s10  }
0xf: {  	s8 =	sor.u32 $0x1C04, s31;
	s10 =	sadd.s32 $0xA74E00, s10;
	s9 =	sadd.s32 $0xEC00, s9  }
0x10: {  	s11 =	sadd.s32 $0x9CE00, s13;
	s13 =	sshrl.u32 s15, $0x3;
	s15 =	simm.s32 $0x80  }
.LBB2_1:
0x11: {  	[spmem:s13], [sflag:s8] =	dma.local [hbm:s7], $0x2800  }
0x12: {  	_ =	swait.ge [sflag:s14], $0x2800  }
0x13: {  	[sflag:s14] =	ssyncset.done $0x0  }
0x14: {  	[sflag:s14] =	ssyncadd.s32 $0xFFFFD800  }
0x15: {  	[tilespmem:s15], [sflag:$0x4] =	stream.linear.gather [hbm4b:s9+s3], $0x2800, $0x38;
	[tilespmem:$0x1E880] =	vst v63  }
0x16: {  	_ =	swait.ge [sflag:s14], $0x2800  }
0x17: {  	[sflag:s14] =	ssyncset.done $0x0  }
0x18: {  	[sflag:s14] =	ssyncadd.s32 $0xFFFFD800  }
0x19: {  	s22 =	simm.s32 $0x0;
	[bflag:$0x0] =	sbarrier.arrive $0xFFFF  }
.LBB2_2:
0x1a: {  	s23 =	sshll.u32 s22, $0x7  }
0x1b: {  	s24 =	sand.u32 $0x3C00, s23  }
0x1c: {  	s25 =	sand.u32 $0x380, s23;
	s24 =	sadd.s32 s4, s24  }
0x1d: {  	s24 =	sor.u32 s25, s24  }
0x1e: {  	s24 =	sshrl.u32 s24, $0x3  }
0x1f: {  	s30 =	simm.s32 $0x0;
	s31 =	sadd.s32 s4, s23;
	s24 =	sadd.s32 s6, s24  }
0x20: {  	[tilespmem:s30], [sflag:$0x1] =	stream.linear.gather [hbm4b:s24+s30], $0x80, $0x38;
	[tilespmem:$0x1E880] =	vst v63  }
0x21: {  	s24 =	sshll.u32 s31, $0x4  }
0x22: {  	s24 =	sadd.s32 s24, s10  }
0x23: {  	[tilespmem:s16], [sflag:$0x2] =	stream.linear.gather [hbm4b:s24+s30], $0x4000, $0x38;
	[tilespmem:$0x1E880] =	vst v63  }
0x24: {  	_ =	swait.ge [sflag:s17], $0x80  }
0x25: {  	[sflag:s17] =	ssyncset.done $0x0  }
0x26: {  	[sflag:s17] =	ssyncadd.s32 $0xFFFFFF80  }
0x27: {  	[tilespmem:s18], [sflag:$0x3] =	stream.indirect.gather [hbm4b:s5+s15], $0x80, s30, s15, $0xb8;
	[tilespmem:$0x1E880] =	vst v63  }
0x28: {  	_ =	swait.ge [sflag:s19], $0x4000  }
0x29: {  	[sflag:s19] =	ssyncset.done $0x0  }
0x2a: {  	[sflag:s19] =	ssyncadd.s32 $0xFFFFC000  }
0x2b: {  	_ =	swait.ge [sflag:s20], $0x4000  }
0x2c: {  	[sflag:s20] =	ssyncset.done $0x0  }
0x2d: {  	s24 =	simm.s32 $0x0;
	[sflag:s20] =	ssyncadd.s32 $0xFFFFC000  }
0x2e: {  	v7 =	vld [tilespmem:s24+$0x6880]  }
0x2f: {  	v11 =	vld [tilespmem:s24+$0x6890]  }
0x30: {  	v5 =	vld [tilespmem:s24+$0x68A0]  }
0x31: {  	v4 =	vld [tilespmem:s24+$0x68B0]  }
0x32: {  	v3 =	vld [tilespmem:s24+$0x68C0]  }
0x33: {  	v2 =	vld [tilespmem:s24+$0x68D0]  }
0x34: {  	v1 =	vld [tilespmem:s24+$0x68E0]  }
0x35: {  	v0 =	vld [tilespmem:s24+$0x68F0]  }
0x36: {  	v12 =	vld [tilespmem:s24+$0x2880]  }
0x37: {  	v13 =	vld [tilespmem:s24+$0x2890]  }
0x38: {  	v10 =	vld [tilespmem:s24+$0x28A0]  }
0x39: {  	v9 =	vld [tilespmem:s24+$0x28B0]  }
0x3a: {  	v8 =	vld [tilespmem:s24+$0x28C0]  }
0x3b: {  	v6 =	vld [tilespmem:s24+$0x28D0];
	v12 =	vmul.f32 v7, v12  }
0x3c: {  	s25 =	simm.s32 $0x200;
	v11 =	vmul.f32 v11, v13;
	v7 =	vld [tilespmem:s24+$0x28E0]  }
.LBB2_3:
0x3d: {  	s26 =	sshra.s32 s25, $0x2;
	p0 =	sne.s32 s25, $0xFE00;
	[tilespmem:s24+$0x2880] =	vst v12;
	v5 =	vmul.f32 v5, v10;
	v10 =	vld [tilespmem:s24+$0x28F0]  }
0x3e: {  	v12 =	vld [tilespmem:s26+$0x6880];
	[tilespmem:s24+$0x2890] =	vst v11;
	v4 =	vmul.f32 v4, v9  }
0x3f: {  	v11 =	vld [tilespmem:s26+$0x6890];
	[tilespmem:s24+$0x28A0] =	vst v5;
	v3 =	vmul.f32 v3, v8  }
0x40: {  	v5 =	vld [tilespmem:s26+$0x68A0];
	[tilespmem:s24+$0x28B0] =	vst v4;
	v2 =	vmul.f32 v2, v6  }
0x41: {  	v4 =	vld [tilespmem:s26+$0x68B0];
	[tilespmem:s24+$0x28C0] =	vst v3;
	v1 =	vmul.f32 v1, v7  }
0x42: {  	v3 =	vld [tilespmem:s26+$0x68C0];
	[tilespmem:s24+$0x28D0] =	vst v2;
	v0 =	vmul.f32 v0, v10  }
0x43: {  	v2 =	vld [tilespmem:s26+$0x68D0];
	[tilespmem:s24+$0x28E0] =	vst v1  }
0x44: {  	v1 =	vld [tilespmem:s26+$0x68E0];
	[tilespmem:s24+$0x28F0] =	vst v0;
	s24 =	smov.u32 s26  }
0x45: {  	v0 =	vld [tilespmem:s24+$0x68F0]  }
0x46: {  	v6 =	vld [tilespmem:s24+$0x2880]  }
0x47: {  	v7 =	vld [tilespmem:s24+$0x2890]  }
.Ltmp0:
0x48: {  	v10 =	vld [tilespmem:s24+$0x28A0];
	(pc) =	sbr.rel @p0 .LBB2_3-.Ltmp0, $4  }
0x49: {  	v9 =	vld [tilespmem:s24+$0x28B0]  }
0x4a: {  	v8 =	vld [tilespmem:s24+$0x28C0]  }
0x4b: {  	v12 =	vmul.f32 v12, v6;
	v6 =	vld [tilespmem:s24+$0x28D0]  }
0x4c: {  	s25 =	sadd.s32 $0x200, s25;
	v11 =	vmul.f32 v11, v7;
	v7 =	vld [tilespmem:s24+$0x28E0]  }
0x4d: {  	[tilespmem:s24+$0x2880] =	vst v12;
	v5 =	vmul.f32 v5, v10;
	v63 =	vld [tilespmem:s24+$0x28F0]  }
0x4e: {  	[tilespmem:s24+$0x2890] =	vst v11;
	v4 =	vmul.f32 v4, v9  }
0x4f: {  	[tilespmem:s24+$0x28A0] =	vst v5;
	v3 =	vmul.f32 v3, v8  }
0x50: {  	[tilespmem:s24+$0x28B0] =	vst v4;
	v2 =	vmul.f32 v2, v6  }
0x51: {  	[tilespmem:s24+$0x28C0] =	vst v3;
	v1 =	vmul.f32 v1, v7  }
0x52: {  	s22 =	sadd.s32 $0x1, s22;
	[tilespmem:s24+$0x28D0] =	vst v2;
	v0 =	vmul.f32 v0, v63  }
0x53: {  	p0 =	sne.s32 s22, $0x50;
	[tilespmem:s24+$0x28E0] =	vst v1  }
.Ltmp1:
0x54: {  	s23 =	sadd.s32 $0x80, s23;
	[tilespmem:s24+$0x28F0] =	vst v0;
	(pc) =	sbr.rel @p0 .LBB2_2-.Ltmp1, $4  }
0x55: {  	[spmem:s2] =	stream.indirect.scatter.add.f32 [tilespmem:s18], [sflag:$0x4], $0x80, s23, s15, $0xb8;
	[tilespmem:$0x1E880] =	vst v63  }
0x56: {  	_ =	swait.ge [sflag:s14], $0x4000  }
0x57: {  	[sflag:s14] =	ssyncset.done $0x0  }
0x58: {  	[sflag:s14] =	ssyncadd.s32 $0xFFFFC000  }
0x59: {  	s21 =	sadd.s32 $0x1, s21  }
0x5a: {  	p0 =	sne.s32 s21, s12  }
.Ltmp2:
0x5b: {  	[bflag:$0x0] =	sbarrier.arrive $0xFFFF;
	(pc) =	sbr.rel @p0 .LBB2_1-.Ltmp2, $4  }
0x5c: {  	[hbm:s11], [sflag:s8] =	dma.local [spmem:s13], $0x2800  }
0x5d: {  	_ =	swait.ge [sflag:s14], $0x2800  }
0x5e: {  	[sflag:s14] =	ssyncset.done $0x0  }
0x5f: {  	[sflag:s14] =	ssyncadd.s32 $0xFFFFD800  }
0x60: {  	_ =	sfence.sel $0x180000  }
0x61: {  	[bflag:$0x0] =	sbarrier.arrive $0xFFFF  }
0x62: {  	p0 =	sne.s32 s0, $0x0;
	_ =	strace $0x9000004D  }
0x63: {  	s0 =	sadd.s32 @!p0 $0x100000, s1;
	[bflag:$0x2] =	sbarrier.arrive $0xFFFF  }
0x64: {  	[sflag:s0] =	ssyncadd.tile.s32 @!p0 $0x1;
	_ =	shalt  }
.Lfunc_end2:
_tile_overlayer_lowered:
.L_overlay_start_2:
0x65: {  	(tag) =	ssettag $0x2  }
0x66: {  	s0 =	rddreg [dreg:$0x0];
	s2 =	stileid.u32  }
0x67: {  	s1 =	rddreg [dreg:$0x1];
	p0 =	sne.s32 s2, $0x0  }
0x68: {  	s3 =	rddreg [dreg:$0x2];
	[bflag:$0x3] =	sbarrier.arrive $0xFFFF;
	s2 =	simm.s32 @!p0 $0x1C04  }
0x69: {  	[timem:s3], [sflag:s2] =	dma.local @!p0 [hbm:s0], s1  }
0x6a: {  	s0 =	simm.s32 @!p0 $0x4  }
0x6b: {  	_ =	swait.ge @!p0 [sflag:s0], s1  }
0x6c: {  	s1 =	ssub.s32 @!p0 $0x0, s1;
	[sflag:s0] =	ssyncset.done @!p0 $0x0  }
0x6d: {  	[sflag:s0] =	ssyncadd.s32 @!p0 s1  }
0x6e: {  	[bflag:$0x3] =	sbarrier.arrive $0xFFFF  }
0x6f: {  	_ =	shalt  }

// kernel: kernel.20.cloned.1.call-start
scs
__scs_entry_jumppad:
0x0: {  	(pc) =	sbr.rel $0x88, $3  }
0x1: {  	(tag) =	ssettag $0x0;
	lr =	simm.s32 $0x1  }
0x2: {  	[smem:$0x3F8E] =	sst lr;
	_ =	strace $0xD0000000  }
0x3: {  	_ = 	snop  }
0x4: {  	_ = 	snop  }
0x5: {  	_ = 	snop  }
0x6: {  	_ = 	snop  }
0x7: {  	_ = 	snop  }
__scs_overlays_trampoline_lowered:
0x8: {  	[smem:$0x3F9D] =	sst s0  }
0x9: {  	[smem:$0x3F9E] =	sst s1  }
0xa: {  	[smem:$0x3F9F] =	sst s2  }
0xb: {  	[smem:$0x3FA0] =	sst s3  }
0xc: {  	[smem:$0x3FA1] =	sst s4  }
0xd: {  	[smem:$0x3FA2] =	sst s5  }
0xe: {  	[smem:$0x3FA3] =	sst s6  }
0xf: {  	[smem:$0x3FA4] =	sst s7  }
0x10: {  	[smem:$0x3FA5] =	sst s8  }
0x11: {  	[smem:$0x3FA6] =	sst s9;
	s0 =	simm.s32 @!p0 $0x0  }
0x12: {  	s1 =	sld [smem:$0x3F8C];
	s0 =	simm.s32 @p0 $0x1  }
0x13: {  	[smem:$0x3FA7] =	sst s0;
	s0 =	simm.s32 @!p1 $0x0  }
0x14: {  	s2 =	sld [smem:$0x3F8B];
	s0 =	simm.s32 @p1 $0x1  }
0x15: {  	[smem:$0x3FA8] =	sst s0;
	s0 =	simm.s32 @!p2 $0x0  }
0x16: {  	s3 =	sld [smem:$0x3FDB];
	s0 =	simm.s32 @p2 $0x1  }
0x17: {  	s4 =	simm.s32 $0x1BF5;
	[smem:$0x3FAA] =	sst s0  }
0x18: {  	s0 =	sld [smem:$0x3F8D];
	_ =	swait.ge [sflag:s4], $0x0  }
0x19: {  	s7 =	sld [smem:$0x3F8E]  }
0x1a: {  	s8 =	sadd.s32 $0xFFFFE003, lr  }
0x1b: {  	s9 =	sadd.s32 $0xFFFFFEF7, lr;
	s5 =	simm.s32 $0xFFFFFFFF;
	p2 =	slt.u32 s8, $0xFFFFF086  }
0x1c: {  	p1 =	slt.u32 s9, $0xF7A;
	s5 =	simm.s32 @!p2 $0x0  }
0x1d: {  	s5 =	simm.s32 @p1 $0x1;
	p0 =	seq.s32 s7, s2  }
0x1e: {  	s7 =	smul.u32 @!p0 $0xF7A, s2;
	p2 =	seq.s32 @!p0 s5, $0x0  }
0x1f: {  	s9 =	smul.u32 $0xF7A, s1;
	s8 =	simm.s32 @!p0 $0x1BF5;
	p2 =	por !p2, p0  }
0x20: {  	[sflag:s8] =	ssyncset.s32 @!p0 $0xFFFFF086;
	s6 =	sadd.s32 @!p0 s3, s7;
	s7 =	simm.s32 @!p0 $0x108  }
0x21: {  	s3 =	sadd.s32 s3, s9;
	s6 =	sadd.s32 @!p0 $0x88, s6;
	s7 =	simm.s32 @p2 $0x1082  }
0x22: {  	[simem:s7], [sflag:s8] =	dma.local @!p0 [hbm:s6], $0xF7A  }
0x23: {  	s9 =	sor.u32 $0xD0000000, s2;
	s6 =	simm.s32 $0x108;
	_ =	swait.ge @!p0 [sflag:s8], $0x0  }
0x24: {  	s3 =	sadd.s32 $0x88, s3;
	s6 =	simm.s32 @!p1 $0x1082;
	[sflag:s4] =	ssyncset.s32 $0xFFFFF086  }
0x25: {  	[simem:s6], [sflag:s4] =	dma.local [hbm:s3], $0xF7A  }
0x26: {  	[smem:$0x3F8E] =	sst s1;
	(tag) =	ssettag s2;
	_ =	strace s9  }
0x27: {  	s1 =	sld [smem:$0x3F9E]  }
0x28: {  	s2 =	sld [smem:$0x3F9F]  }
0x29: {  	s4 =	sld [smem:$0x3FA1]  }
0x2a: {  	p0 =	seq.s32 s5, $0x0;
	s5 =	sld [smem:$0x3FA2]  }
0x2b: {  	s6 =	sld [smem:$0x3FA3]  }
0x2c: {  	s7 =	sld [smem:$0x3FA4]  }
0x2d: {  	s3 =	simm.s32 $0x108;
	s8 =	sld [smem:$0x3FA5]  }
0x2e: {  	s3 =	simm.s32 @!p0 $0x1082;
	s9 =	sld [smem:$0x3FA6]  }
0x2f: {  	lr =	sadd.s32 s0, s3;
	s0 =	sld [smem:$0x3F9D]  }
0x30: {  	s3 =	sld [smem:$0x3FA0]  }
0x31: {  	[smem:$0x3FA9] =	sst s10  }
0x32: {  	s10 =	sld [smem:$0x3FA7];
	_ =	sdelay $0x3  }
0x33: {  	p0 =	seq.s32 s10, $0x1;
	s10 =	sld [smem:$0x3FA9];
	_ =	sdelay $0x3  }
0x34: {  	[smem:$0x3FA9] =	sst s10  }
0x35: {  	s10 =	sld [smem:$0x3FA8];
	_ =	sdelay $0x3  }
0x36: {  	p1 =	seq.s32 s10, $0x1;
	s10 =	sld [smem:$0x3FA9];
	_ =	sdelay $0x3  }
0x37: {  	[smem:$0x3FA9] =	sst s10  }
0x38: {  	s10 =	sld [smem:$0x3FAA]  }
0x39: {  	_ = 	snop;
	(pc) =	sbr.ind lr, $3  }
0x3a: {  	_ = 	snop  }
0x3b: {  	_ = 	snop  }
0x3c: {  	p2 =	seq.s32 s10, $0x1;
	s10 =	sld [smem:$0x3FA9]  }
0x3d: {  	_ =	shalt  }
0x3e: {  	_ =	shalt  }
0x3f: {  	_ =	shalt  }
0x40: {  	_ =	shalt  }
0x41: {  	_ =	shalt  }
0x42: {  	_ =	shalt  }
0x43: {  	_ =	shalt  }
0x44: {  	_ =	shalt  }
0x45: {  	_ =	shalt  }
0x46: {  	_ =	shalt  }
0x47: {  	_ =	shalt  }
0x48: {  	_ =	shalt  }
0x49: {  	_ =	shalt  }
0x4a: {  	_ =	shalt  }
0x4b: {  	_ =	shalt  }
0x4c: {  	_ =	shalt  }
0x4d: {  	_ =	shalt  }
0x4e: {  	_ =	shalt  }
0x4f: {  	_ =	shalt  }
0x50: {  	_ =	shalt  }
0x51: {  	_ =	shalt  }
0x52: {  	_ =	shalt  }
0x53: {  	_ =	shalt  }
0x54: {  	_ =	shalt  }
0x55: {  	_ =	shalt  }
0x56: {  	_ =	shalt  }
0x57: {  	_ =	shalt  }
0x58: {  	_ =	shalt  }
0x59: {  	_ =	shalt  }
0x5a: {  	_ =	shalt  }
0x5b: {  	_ =	shalt  }
0x5c: {  	_ =	shalt  }
0x5d: {  	_ =	shalt  }
0x5e: {  	_ =	shalt  }
0x5f: {  	_ =	shalt  }
0x60: {  	_ =	shalt  }
0x61: {  	_ =	shalt  }
0x62: {  	_ =	shalt  }
0x63: {  	_ =	shalt  }
0x64: {  	_ =	shalt  }
0x65: {  	_ =	shalt  }
0x66: {  	_ =	shalt  }
0x67: {  	_ =	shalt  }
0x68: {  	_ =	shalt  }
0x69: {  	_ =	shalt  }
0x6a: {  	_ =	shalt  }
0x6b: {  	_ =	shalt  }
0x6c: {  	_ =	shalt  }
0x6d: {  	_ =	shalt  }
0x6e: {  	_ =	shalt  }
0x6f: {  	_ =	shalt  }
0x70: {  	_ =	shalt  }
0x71: {  	_ =	shalt  }
0x72: {  	_ =	shalt  }
0x73: {  	_ =	shalt  }
0x74: {  	_ =	shalt  }
0x75: {  	_ =	shalt  }
0x76: {  	_ =	shalt  }
0x77: {  	_ =	shalt  }
0x78: {  	_ =	shalt  }
0x79: {  	_ =	shalt  }
0x7a: {  	_ =	shalt  }
0x7b: {  	_ =	shalt  }
0x7c: {  	_ =	shalt  }
0x7d: {  	_ =	shalt  }
0x7e: {  	_ =	shalt  }
0x7f: {  	_ =	shalt  }
0x80: {  	_ =	shalt  }
0x81: {  	_ =	shalt  }
0x82: {  	_ =	shalt  }
0x83: {  	_ =	shalt  }
0x84: {  	_ =	shalt  }
0x85: {  	_ =	shalt  }
0x86: {  	_ =	shalt  }
0x87: {  	_ =	shalt  }
.Lfunc_end0:
.L_simem_size_0:
called_computation.3_lowered:
.L_overlay_start_0:
0x88: {  	s2 =	sld [smem:$0x3FD9]  }
0x89: {  	s3 =	sld [smem:$0x3FFE];
	_ =	sdelay $0x1  }
0x8a: {  	s1 =	srdreg.scid  }
0x8b: {  	s0 =	sand.u32 $0x1, s1  }
0x8c: {  	s16 =	sshll.u32 s0, $0xA;
	s2 =	sadd.s32 s3, s2  }
0x8d: {  	s2 =	sadd.s32 s2, s16  }
0x8e: {  	[smem:$0x3FB5] =	sst s2  }
0x8f: {  	_ = 	snop  }
0x90: {  	(tm) =	ssettm $0x1  }
0x91: {  	s17 =	sld [smem:$0x3FFB];
	_ =	sdelay $0x3  }
0x92: {  	_ =	strace s17  }
0x93: {  	s2 =	sld [smem:$0x3FFC];
	_ =	sdelay $0x3  }
0x94: {  	_ =	strace s2  }
0x95: {  	s2 =	sld [smem:$0x3FFD];
	_ =	sdelay $0x3  }
0x96: {  	_ =	strace s2  }
0x97: {  	_ =	strace $0x8FFFFFFF  }
0x98: {  	s18 =	sld [smem:$0x3FDB];
	_ =	sdelay $0x1  }
0x99: {  	s19 =	simm.s32 $_scs_section_size  }
0x9a: {  	s4 =	simm.s32 $_size__tile_overlayer_lowered;
	s5 =	simm.s32 $_tile_overlayer_lowered  }
0x9b: {  	s22 =	simm.s32 $0x1BFF;
	s21 =	sshll.u32 s5, $0x1;
	s2 =	sadd.s32 s19, s18  }
0x9c: {  	s6 =	simm.s32 $0x0;
	s20 =	sshll.u32 s4, $0x1;
	s4 =	sadd.s32 s21, s2  }
0x9d: {  	[timem:s6], [sflag:s22] =	dma.local [hbm:s4], s20  }
0x9e: {  	_ =	swait.ge [sflag:s22], s20  }
0x9f: {  	s3 =	ssub.s32 $0x0, s20;
	[sflag:s22] =	ssyncset.done $0x0  }
0xa0: {  	[sflag:s22] =	ssyncadd.s32 s3;
	_ =	sdelay $0x1  }
0xa1: {  	s23 =	simm.s32 $0x1B8B  }
0xa2: {  	_ =	swait.ge [sflag:s23], $0x1  }
0xa3: {  	[sflag:s23] =	ssyncset.done $0x0  }
0xa4: {  	s25 =	simm.s32 $0x1B8E;
	s24 =	sld [smem:$0x3FFE];
	[sflag:s23] =	ssyncadd.s32 $0xFFFFFFFF  }
0xa5: {  	s26 =	simm.s32 $execute0_lowered;
	[smem:$0x3FD2] =	sst s25  }
0xa6: {  	s4 =	sshll.u32 s26, $0x1;
	_ =	strace $0x8000004F;
	[dreg:$0x1] =	wrdreg $0xFFFFFFFF  }
0xa7: {  	s28 =	simm.s32 $_size_execute0_lowered;
	s2 =	sadd.s32 s2, s4;
	[dreg:$0x0] =	wrdreg $0x0  }
0xa8: {  	s4 =	sshll.u32 s28, $0x1;
	[dreg:$0x2] =	wrdreg s2  }
0xa9: {  	[dreg:$0x3] =	wrdreg s4  }
0xaa: {  	[dreg:$0x4] =	wrdreg $0xC0  }
0xab: {  	_ =	task [dreg:s6], $0x5FFFF  }
0xac: {  	[dreg:$0x1] =	wrdreg $0xFFFFFFFF  }
0xad: {  	[dreg:$0x0] =	wrdreg $0x60  }
0xae: {  	[dreg:$0x2] =	wrdreg s24  }
0xaf: {  	[dreg:$0x3] =	wrdreg $0xA8800  }
0xb0: {  	[dreg:$0x4] =	wrdreg $0x9  }
0xb1: {  	_ =	task.clear_ibuf [dreg:s6], $0x5FFFF;
	_ =	strace $0x9000004F  }
0xb2: {  	s29 =	simm.s32 $0x9;
	_ =	strace $0x80000051  }
0xb3: {  	_ =	swait.ge [sflag:s29], $0x1  }
0xb4: {  	[sflag:s29] =	ssyncadd.s32 $0xFFFFFFFF  }
0xb5: {  	_ =	strace $0x90000051  }
0xb6: {  	_ =	sfence  }
0xb7: {  	s30 =	sld [smem:$0x0];
	_ =	sdelay $0x2  }
0xb8: {  	s31 =	sshll.u32 s1, $0xD;
	s1 =	sshrl.u32 s1, $0x2  }
0xb9: {  	s3 =	sand.u32 $0x4000, s31;
	s1 =	sadd.s32 s1, s30  }
0xba: {  	s0 =	sor.u32 s3, s0;
	s1 =	sshll.u32 s1, $0x11  }
0xbb: {  	s0 =	sor.u32 s1, s0  }
0xbc: {  	s0 =	sadd.s32 $0x8F2B, s0  }
0xbd: {  	[sflag:s0] =	ssyncadd.remote.s32 $0x1  }
0xbe: {  	_ =	sfence.sel $0xFFFF  }
0xbf: {  	[dreg:$0x0] =	wrdreg $0xFFFFFFFF;
	(pc) =	sbr.abs _section_cstart, $3  }
0xc0: {  	[dreg:$0x1] =	wrdreg $0xFFFFFFFF  }
0xc1: {  	_ =	task.clear_ibuf [dreg:s6], $0x2FFFF;
	_ =	strace $0x9FFFFFFF  }
0xc2: {  	(tm) =	ssettm $0x7FFFFFFF  }
0xc3: {  	_ =	shalt  }
tec
execute0_lowered:
.L_overlay_start_1:
0x0: {  	(tag) =	ssettag $0x1  }
0x1: {  	s1 =	srdreg.scid  }
0x2: {  	s0 =	stileid.u32;
	s10 =	rddreg [dreg:$0x0]  }
0x3: {  	s2 =	rddreg [dreg:$0x1];
	s3 =	simm.s32 $0x0;
	s16 =	simm.s32 $0x6880  }
0x4: {  	s17 =	simm.s32 $0x1;
	s18 =	simm.s32 $0x2880;
	s19 =	simm.s32 $0x2  }
0x5: {  	s20 =	simm.s32 $0x3;
	s7 =	sand.u32 $0x1, s1;
	s1 =	rddreg [dreg:$0x2]  }
0x6: {  	s21 =	simm.s32 $0x0;
	s28 =	sshll.u32 s0, $0x1;
	[smem:$0x7FF] =	sst s3  }
0x7: {  	s8 =	smul.u32 $0x14000, s0;
	s5 =	sadd.s32 $0x1B200, s10;
	s6 =	sadd.s32 $0x4C00, s10  }
0x8: {  	s29 =	smul.u32 $0x50000, s0;
	s31 =	sshll.u32 s0, $0x6;
	s4 =	sor.u32 s7, s28  }
0x9: {  	_ =	strace $0x80000050;
	s11 =	smul.u32 $0x140000, s7;
	s7 =	ssub.s32 $0x2, s7  }
0xa: {  	s4 =	smul.u32 $0x2800, s4;
	s12 =	sshrl.u32 s8, $0x3;
	s30 =	sshrl.u32 s7, $0x1  }
0xb: {  	s8 =	sadd.s32 s8, s11;
	s12 =	sadd.s32 s12, s10;
	s11 =	sshrl.u32 s29, $0x2  }
0xc: {  	s14 =	ssub.s32 s7, s30;
	s9 =	sshrl.u32 s4, $0x3;
	s8 =	sshrl.u32 s8, $0x3  }
0xd: {  	s15 =	sadd.s32 s11, s2;
	s7 =	sadd.s32 $0x74E00, s12;
	s12 =	smax.u32 s14, $0x1  }
0xe: {  	s14 =	simm.s32 $0x4;
	s9 =	sadd.s32 s9, s10;
	s13 =	sadd.s32 s8, s10  }
0xf: {  	s8 =	sor.u32 $0x1C04, s31;
	s10 =	sadd.s32 $0xF74E00, s10;
	s9 =	sadd.s32 $0xEC00, s9  }
0x10: {  	s11 =	sadd.s32 $0x9CE00, s13;
	s13 =	sshrl.u32 s15, $0x3;
	s15 =	simm.s32 $0x80  }
.LBB2_1:
0x11: {  	[spmem:s13], [sflag:s8] =	dma.local [hbm:s7], $0x2800  }
0x12: {  	_ =	swait.ge [sflag:s14], $0x2800  }
0x13: {  	[sflag:s14] =	ssyncset.done $0x0  }
0x14: {  	[sflag:s14] =	ssyncadd.s32 $0xFFFFD800  }
0x15: {  	[tilespmem:s15], [sflag:$0x4] =	stream.linear.gather [hbm4b:s9+s3], $0x2800, $0x38;
	[tilespmem:$0x1E880] =	vst v63  }
0x16: {  	_ =	swait.ge [sflag:s14], $0x2800  }
0x17: {  	[sflag:s14] =	ssyncset.done $0x0  }
0x18: {  	[sflag:s14] =	ssyncadd.s32 $0xFFFFD800  }
0x19: {  	s22 =	simm.s32 $0x0;
	[bflag:$0x0] =	sbarrier.arrive $0xFFFF  }
.LBB2_2:
0x1a: {  	s23 =	sshll.u32 s22, $0x7  }
0x1b: {  	s24 =	sand.u32 $0x3C00, s23  }
0x1c: {  	s25 =	sand.u32 $0x380, s23;
	s24 =	sadd.s32 s4, s24  }
0x1d: {  	s24 =	sor.u32 s25, s24  }
0x1e: {  	s24 =	sshrl.u32 s24, $0x3  }
0x1f: {  	s30 =	simm.s32 $0x0;
	s31 =	sadd.s32 s4, s23;
	s24 =	sadd.s32 s6, s24  }
0x20: {  	[tilespmem:s30], [sflag:$0x1] =	stream.linear.gather [hbm4b:s24+s30], $0x80, $0x38;
	[tilespmem:$0x1E880] =	vst v63  }
0x21: {  	s24 =	sshll.u32 s31, $0x4  }
0x22: {  	s24 =	sadd.s32 s24, s10  }
0x23: {  	[tilespmem:s16], [sflag:$0x2] =	stream.linear.gather [hbm4b:s24+s30], $0x4000, $0x38;
	[tilespmem:$0x1E880] =	vst v63  }
0x24: {  	_ =	swait.ge [sflag:s17], $0x80  }
0x25: {  	[sflag:s17] =	ssyncset.done $0x0  }
0x26: {  	[sflag:s17] =	ssyncadd.s32 $0xFFFFFF80  }
0x27: {  	[tilespmem:s18], [sflag:$0x3] =	stream.indirect.gather [hbm4b:s5+s15], $0x80, s30, s15, $0xb8;
	[tilespmem:$0x1E880] =	vst v63  }
0x28: {  	_ =	swait.ge [sflag:s19], $0x4000  }
0x29: {  	[sflag:s19] =	ssyncset.done $0x0  }
0x2a: {  	[sflag:s19] =	ssyncadd.s32 $0xFFFFC000  }
0x2b: {  	_ =	swait.ge [sflag:s20], $0x4000  }
0x2c: {  	[sflag:s20] =	ssyncset.done $0x0  }
0x2d: {  	s24 =	simm.s32 $0x0;
	[sflag:s20] =	ssyncadd.s32 $0xFFFFC000  }
0x2e: {  	v7 =	vld [tilespmem:s24+$0x6880]  }
0x2f: {  	v11 =	vld [tilespmem:s24+$0x6890]  }
0x30: {  	v5 =	vld [tilespmem:s24+$0x68A0]  }
0x31: {  	v4 =	vld [tilespmem:s24+$0x68B0]  }
0x32: {  	v3 =	vld [tilespmem:s24+$0x68C0]  }
0x33: {  	v2 =	vld [tilespmem:s24+$0x68D0]  }
0x34: {  	v1 =	vld [tilespmem:s24+$0x68E0]  }
0x35: {  	v0 =	vld [tilespmem:s24+$0x68F0]  }
0x36: {  	v12 =	vld [tilespmem:s24+$0x2880]  }
0x37: {  	v13 =	vld [tilespmem:s24+$0x2890]  }
0x38: {  	v10 =	vld [tilespmem:s24+$0x28A0]  }
0x39: {  	v9 =	vld [tilespmem:s24+$0x28B0]  }
0x3a: {  	v8 =	vld [tilespmem:s24+$0x28C0]  }
0x3b: {  	v6 =	vld [tilespmem:s24+$0x28D0];
	v12 =	vmul.f32 v7, v12  }
0x3c: {  	s25 =	simm.s32 $0x200;
	v11 =	vmul.f32 v11, v13;
	v7 =	vld [tilespmem:s24+$0x28E0]  }
.LBB2_3:
0x3d: {  	s26 =	sshra.s32 s25, $0x2;
	p0 =	sne.s32 s25, $0xFE00;
	[tilespmem:s24+$0x2880] =	vst v12;
	v5 =	vmul.f32 v5, v10;
	v10 =	vld [tilespmem:s24+$0x28F0]  }
0x3e: {  	v12 =	vld [tilespmem:s26+$0x6880];
	[tilespmem:s24+$0x2890] =	vst v11;
	v4 =	vmul.f32 v4, v9  }
0x3f: {  	v11 =	vld [tilespmem:s26+$0x6890];
	[tilespmem:s24+$0x28A0] =	vst v5;
	v3 =	vmul.f32 v3, v8  }
0x40: {  	v5 =	vld [tilespmem:s26+$0x68A0];
	[tilespmem:s24+$0x28B0] =	vst v4;
	v2 =	vmul.f32 v2, v6  }
0x41: {  	v4 =	vld [tilespmem:s26+$0x68B0];
	[tilespmem:s24+$0x28C0] =	vst v3;
	v1 =	vmul.f32 v1, v7  }
0x42: {  	v3 =	vld [tilespmem:s26+$0x68C0];
	[tilespmem:s24+$0x28D0] =	vst v2;
	v0 =	vmul.f32 v0, v10  }
0x43: {  	v2 =	vld [tilespmem:s26+$0x68D0];
	[tilespmem:s24+$0x28E0] =	vst v1  }
0x44: {  	v1 =	vld [tilespmem:s26+$0x68E0];
	[tilespmem:s24+$0x28F0] =	vst v0;
	s24 =	smov.u32 s26  }
0x45: {  	v0 =	vld [tilespmem:s24+$0x68F0]  }
0x46: {  	v6 =	vld [tilespmem:s24+$0x2880]  }
0x47: {  	v7 =	vld [tilespmem:s24+$0x2890]  }
.Ltmp0:
0x48: {  	v10 =	vld [tilespmem:s24+$0x28A0];
	(pc) =	sbr.rel @p0 .LBB2_3-.Ltmp0, $4  }
0x49: {  	v9 =	vld [tilespmem:s24+$0x28B0]  }
0x4a: {  	v8 =	vld [tilespmem:s24+$0x28C0]  }
0x4b: {  	v12 =	vmul.f32 v12, v6;
	v6 =	vld [tilespmem:s24+$0x28D0]  }
0x4c: {  	s25 =	sadd.s32 $0x200, s25;
	v11 =	vmul.f32 v11, v7;
	v7 =	vld [tilespmem:s24+$0x28E0]  }
0x4d: {  	[tilespmem:s24+$0x2880] =	vst v12;
	v5 =	vmul.f32 v5, v10;
	v63 =	vld [tilespmem:s24+$0x28F0]  }
0x4e: {  	[tilespmem:s24+$0x2890] =	vst v11;
	v4 =	vmul.f32 v4, v9  }
0x4f: {  	[tilespmem:s24+$0x28A0] =	vst v5;
	v3 =	vmul.f32 v3, v8  }
0x50: {  	[tilespmem:s24+$0x28B0] =	vst v4;
	v2 =	vmul.f32 v2, v6  }
0x51: {  	[tilespmem:s24+$0x28C0] =	vst v3;
	v1 =	vmul.f32 v1, v7  }
0x52: {  	s22 =	sadd.s32 $0x1, s22;
	[tilespmem:s24+$0x28D0] =	vst v2;
	v0 =	vmul.f32 v0, v63  }
0x53: {  	p0 =	sne.s32 s22, $0x50;
	[tilespmem:s24+$0x28E0] =	vst v1  }
.Ltmp1:
0x54: {  	s23 =	sadd.s32 $0x80, s23;
	[tilespmem:s24+$0x28F0] =	vst v0;
	(pc) =	sbr.rel @p0 .LBB2_2-.Ltmp1, $4  }
0x55: {  	[spmem:s2] =	stream.indirect.scatter.add.f32 [tilespmem:s18], [sflag:$0x4], $0x80, s23, s15, $0xb8;
	[tilespmem:$0x1E880] =	vst v63  }
0x56: {  	_ =	swait.ge [sflag:s14], $0x4000  }
0x57: {  	[sflag:s14] =	ssyncset.done $0x0  }
0x58: {  	[sflag:s14] =	ssyncadd.s32 $0xFFFFC000  }
0x59: {  	s21 =	sadd.s32 $0x1, s21  }
0x5a: {  	p0 =	sne.s32 s21, s12  }
.Ltmp2:
0x5b: {  	[bflag:$0x0] =	sbarrier.arrive $0xFFFF;
	(pc) =	sbr.rel @p0 .LBB2_1-.Ltmp2, $4  }
0x5c: {  	[hbm:s11], [sflag:s8] =	dma.local [spmem:s13], $0x2800  }
0x5d: {  	_ =	swait.ge [sflag:s14], $0x2800  }
0x5e: {  	[sflag:s14] =	ssyncset.done $0x0  }
0x5f: {  	[sflag:s14] =	ssyncadd.s32 $0xFFFFD800  }
0x60: {  	_ =	sfence.sel $0x180000  }
0x61: {  	[bflag:$0x0] =	sbarrier.arrive $0xFFFF  }
0x62: {  	p0 =	sne.s32 s0, $0x0;
	_ =	strace $0x90000050  }
0x63: {  	s0 =	sadd.s32 @!p0 $0x100000, s1;
	[bflag:$0x2] =	sbarrier.arrive $0xFFFF  }
0x64: {  	[sflag:s0] =	ssyncadd.tile.s32 @!p0 $0x1;
	_ =	shalt  }
.Lfunc_end2:
_tile_overlayer_lowered:
.L_overlay_start_2:
0x65: {  	(tag) =	ssettag $0x2  }
0x66: {  	s0 =	rddreg [dreg:$0x0];
	s2 =	stileid.u32  }
0x67: {  	s1 =	rddreg [dreg:$0x1];
	p0 =	sne.s32 s2, $0x0  }
0x68: {  	s3 =	rddreg [dreg:$0x2];
	[bflag:$0x3] =	sbarrier.arrive $0xFFFF;
	s2 =	simm.s32 @!p0 $0x1C04  }
0x69: {  	[timem:s3], [sflag:s2] =	dma.local @!p0 [hbm:s0], s1  }
0x6a: {  	s0 =	simm.s32 @!p0 $0x4  }
0x6b: {  	_ =	swait.ge @!p0 [sflag:s0], s1  }
0x6c: {  	s1 =	ssub.s32 @!p0 $0x0, s1;
	[sflag:s0] =	ssyncset.done @!p0 $0x0  }
0x6d: {  	[sflag:s0] =	ssyncadd.s32 @!p0 s1  }
0x6e: {  	[bflag:$0x3] =	sbarrier.arrive $0xFFFF  }
0x6f: {  	_ =	shalt  }

</sc_bundles>
